<compile_context>
chip_gen: v7x
topology: tpu7x:2x2x1
jax: 0.10.2.dev20260603
libtpu: 0.0.44.dev20260713+nightly
codegen_flags: <defaults>
</compile_context>

<pallas_src>
import jax
import jax.numpy as jnp
from jax import lax
from jax.experimental import pallas as pl
from jax.experimental.pallas import tpu as pltpu
from jax.experimental.pallas import tpu_sc as plsc

N = 10000
E = 320000
D = 128
W = 144
TN = 10256
HALF = 5120
NACC = 5136
NTILES = 32
EPT = E // NTILES
CH = 80
CAPL = 5760
CAPB = CAPL + 16
NLCH = CAPL // CH


def _pre_body(x_ref, beta_ref, t_ref):
    xb = x_ref[...]
    n2 = jnp.sum(xb * xb, axis=1, keepdims=True)
    inv = 1.0 / jnp.maximum(jnp.sqrt(n2), 1e-12)
    t_ref[:, :D] = xb
    t_ref[:, D:D + 1] = inv
    t_ref[:, D + 1:D + 2] = inv * beta_ref[0, 0]
    t_ref[:, D + 2:] = jnp.zeros((x_ref.shape[0], W - D - 2), jnp.float32)


def _post_body(p_ref, o_ref):
    b = p_ref[0]
    feat = b[:, :D]
    den = b[:, D:D + 1]
    o_ref[...] = jnp.maximum(feat / jnp.maximum(den, 1e-16), 0.0)


def _route_body(src_hbm, dst_hbm, ls_hbm, ld_hbm, hs_hbm, hd_hbm,
                sv_v, dv_v, ls_v, ld_v, hs_v, hd_v):
    core = lax.axis_index("c")
    sub = lax.axis_index("s")
    wid = sub * 2 + core

    pltpu.sync_copy(src_hbm.at[wid], sv_v)
    pltpu.sync_copy(dst_hbm.at[wid], dv_v)

    zs = jnp.zeros((16,), jnp.int32)
    pad_low = jnp.full((16,), HALF + 7, jnp.int32)
    pad_high = jnp.full((16,), TN - 1, jnp.int32)

    def prefill(r, _):
        sl = pl.ds(16 * r, 16)
        ls_v[sl] = zs
        ld_v[sl] = pad_low
        hs_v[sl] = zs
        hd_v[sl] = pad_high
        return 0

    lax.fori_loop(0, CAPB // 16, prefill, 0)

    def grp(g, carry):
        p_lo, p_hi = carry
        sl = pl.ds(16 * g, 16)
        sv = sv_v[sl]
        dv = dv_v[sl]
        ml = dv < HALF
        mh = dv >= HALF
        cl = plsc.all_reduce_population_count(ml)[0]

        @pl.when(p_lo <= CAPL)
        def _():
            plsc.store_compressed(ls_v.at[pl.ds(p_lo, 16)], sv, mask=ml)
            plsc.store_compressed(ld_v.at[pl.ds(p_lo, 16)], dv, mask=ml)

        @pl.when(p_hi <= CAPL)
        def _():
            plsc.store_compressed(hs_v.at[pl.ds(p_hi, 16)], sv, mask=mh)
            plsc.store_compressed(hd_v.at[pl.ds(p_hi, 16)], dv, mask=mh)

        return p_lo + cl, p_hi + (16 - cl)

    lax.fori_loop(0, EPT // 16, grp, (jnp.int32(0), jnp.int32(0)))

    pltpu.sync_copy(ls_v.at[pl.ds(0, CAPL)], ls_hbm.at[wid])
    pltpu.sync_copy(ld_v.at[pl.ds(0, CAPL)], ld_hbm.at[wid])
    pltpu.sync_copy(hs_v.at[pl.ds(0, CAPL)], hs_hbm.at[wid])
    pltpu.sync_copy(hd_v.at[pl.ds(0, CAPL)], hd_hbm.at[wid])


def _main_body(t_hbm, ls_hbm, ld_hbm, hs_hbm, hd_hbm, acc_hbm,
               sl_v, dl_v, dloc_v, xs_v, xd_v, o_v, acc_sh, sem):
    core = lax.axis_index("c")
    sub = lax.axis_index("s")
    s2 = sub * 2

    @pl.when(core == 0)
    def _():
        pltpu.sync_copy(ls_hbm.at[s2], sl_v.at[0])
        pltpu.sync_copy(ls_hbm.at[s2 + 1], sl_v.at[1])
        pltpu.sync_copy(ld_hbm.at[s2], dl_v.at[0])
        pltpu.sync_copy(ld_hbm.at[s2 + 1], dl_v.at[1])

    @pl.when(core == 1)
    def _():
        pltpu.sync_copy(hs_hbm.at[s2], sl_v.at[0])
        pltpu.sync_copy(hs_hbm.at[s2 + 1], sl_v.at[1])
        pltpu.sync_copy(hd_hbm.at[s2], dl_v.at[0])
        pltpu.sync_copy(hd_hbm.at[s2 + 1], dl_v.at[1])

    zeros16 = jnp.zeros((16,), jnp.float32)

    def zero_row(r, _):
        for k in range(W // 16):
            o_v[r, pl.ds(16 * k, 16)] = zeros16
        return 0

    lax.fori_loop(0, CH, zero_row, 0)

    base = sub * 320
    for j in range(4):
        pltpu.sync_copy(o_v, acc_sh.at[pl.ds(base + j * CH, CH)])

    @pl.when(sub == 15)
    def _():
        pltpu.sync_copy(o_v.at[pl.ds(0, 16)], acc_sh.at[pl.ds(HALF, 16)])

    plsc.subcore_barrier()

    lane = lax.broadcasted_iota(jnp.int32, (16,), 0)
    off = core * HALF

    def do_chunk(i, _):
        li = i // NLCH
        e0 = (i % NLCH) * CH
        g1 = pltpu.async_copy(t_hbm.at[sl_v.at[li, pl.ds(e0, CH)]], xs_v, sem)
        g2 = pltpu.async_copy(t_hbm.at[dl_v.at[li, pl.ds(e0, CH)]], xd_v, sem)
        for k in range(CH // 16):
            dloc_v[pl.ds(16 * k, 16)] = dl_v[li, pl.ds(e0 + 16 * k, 16)] - off
        g1.wait()
        g2.wait()

        def do_edge(e, _2):
            a0 = xs_v[e, pl.ds(0, 16)]
            b0 = xd_v[e, pl.ds(0, 16)]
            acc = a0 * b0
            rows_a = [a0]
            for k in range(1, D // 16):
                ak = xs_v[e, pl.ds(16 * k, 16)]
                bk = xd_v[e, pl.ds(16 * k, 16)]
                rows_a.append(ak)
                acc = acc + ak * bk
            dot = jnp.sum(acc)
            xs_ex = xs_v[e, pl.ds(D, 16)]
            xd_ex = xd_v[e, pl.ds(D, 16)]
            alpha = dot * xs_ex[0] * xd_ex[1]
            ex = jnp.exp(jnp.full((16,), alpha, jnp.float32))
            for k in range(D // 16):
                o_v[e, pl.ds(16 * k, 16)] = rows_a[k] * ex
            o_v[e, pl.ds(D, 16)] = jnp.where(lane == 0, ex, 0.0)
            return 0

        lax.fori_loop(0, CH, do_edge, 0)
        pltpu.sync_copy(o_v, acc_sh.at[dloc_v], add=True)
        return 0

    lax.fori_loop(0, 2 * NLCH, do_chunk, 0)

    plsc.subcore_barrier()

    pltpu.sync_copy(acc_sh.at[pl.ds(base, 320)],
                    acc_hbm.at[core, pl.ds(base, 320)])

    @pl.when(sub == 15)
    def _():
        pltpu.sync_copy(acc_sh.at[pl.ds(HALF, 16)],
                        acc_hbm.at[core, pl.ds(HALF, 16)])


@jax.jit
def kernel(x, edge_index, beta):
    src = edge_index[0].reshape(NTILES, EPT)
    dst = edge_index[1].reshape(NTILES, EPT)
    x_pad = jnp.zeros((TN, D), jnp.float32).at[:N].set(x)

    t = pl.pallas_call(
        _pre_body,
        out_shape=jax.ShapeDtypeStruct((TN, W), jnp.float32),
        in_specs=[
            pl.BlockSpec(memory_space=pltpu.VMEM),
            pl.BlockSpec(memory_space=pltpu.SMEM),
        ],
    )(x_pad, beta.reshape(1, 1))

    mesh = plsc.VectorSubcoreMesh(core_axis_name="c", subcore_axis_name="s")
    sc_params = pltpu.CompilerParams(
        needs_layout_passes=False, use_tc_tiling_on_sc=False)

    ls, ld, hs, hd = pl.kernel(
        _route_body,
        out_type=[jax.ShapeDtypeStruct((NTILES, CAPL), jnp.int32)] * 4,
        mesh=mesh,
        compiler_params=sc_params,
        scratch_types=[
            pltpu.VMEM((EPT,), jnp.int32),
            pltpu.VMEM((EPT,), jnp.int32),
            pltpu.VMEM((CAPB,), jnp.int32),
            pltpu.VMEM((CAPB,), jnp.int32),
            pltpu.VMEM((CAPB,), jnp.int32),
            pltpu.VMEM((CAPB,), jnp.int32),
        ],
    )(src, dst)

    acc = pl.kernel(
        _main_body,
        out_type=jax.ShapeDtypeStruct((2, NACC, W), jnp.float32),
        mesh=mesh,
        compiler_params=sc_params,
        scratch_types=[
            pltpu.VMEM((2, CAPL), jnp.int32),
            pltpu.VMEM((2, CAPL), jnp.int32),
            pltpu.VMEM((CH,), jnp.int32),
            pltpu.VMEM((CH, W), jnp.float32),
            pltpu.VMEM((CH, W), jnp.float32),
            pltpu.VMEM((CH, W), jnp.float32),
            pltpu.VMEM_SHARED((NACC, W), jnp.float32),
            pltpu.SemaphoreType.DMA,
        ],
    )(t, ls, ld, hs, hd)

    def lo_map(j):
        c = jnp.where(j < 64, 0, 1)
        return c, jnp.where(j < 64, j, j - 64), 0

    out = pl.pallas_call(
        _post_body,
        grid=(N // CH,),
        out_shape=jax.ShapeDtypeStruct((N, D), jnp.float32),
        in_specs=[pl.BlockSpec((1, CH, W), lo_map)],
        out_specs=pl.BlockSpec((CH, D), lambda j: (j, 0)),
    )(acc)
    return out

# --- scband reference (transcript-rebuilt; emitter-appended) ---
"""Pipeline reference for scband-agnnlayer-55783035240597 (READ-ONLY COPY).

The authoritative reference and input builder live on the scoring server;
editing this copy changes nothing except your own understanding.
"""

import jax, jax.numpy as jnp
import numpy as np

N = 10000
E = 320000
D = 128


def setup_inputs(seed: int = 0) -> dict:
    key = jax.random.key(seed)
    k1, k2 = jax.random.split(key)
    x = jax.random.normal(k1, (N, D), dtype=jnp.float32)
    edge_index = jax.random.randint(k2, (2, E), 0, N, dtype=jnp.int32)
    beta = jnp.ones((1,), dtype=jnp.float32)  # learnable scalar in AGNNConv, init 1.0
    return {"x": x, "edge_index": edge_index, "beta": beta}


def reference(x, edge_index, beta):
    src = edge_index[0]  # source node j (messages flow j -> i)
    dst = edge_index[1]  # target node i
    # F.normalize(x, p=2, dim=-1) with eps clamp, as in PyG AGNNConv
    norm = jnp.linalg.norm(x, axis=-1, keepdims=True)
    x_norm = x / jnp.maximum(norm, 1e-12)
    # attention logits: beta * cos(x_i, x_j) per edge
    cos = jnp.sum(x_norm[dst] * x_norm[src], axis=-1)
    alpha = beta[0] * cos
    # softmax over incoming edges grouped by dst node
    amax = jax.ops.segment_max(alpha, dst, num_segments=N)
    amax = jnp.where(jnp.isfinite(amax), amax, 0.0)
    ex = jnp.exp(alpha - amax[dst])
    denom = jax.ops.segment_sum(ex, dst, num_segments=N)
    w = ex / jnp.maximum(denom[dst], 1e-16)
    # aggregate: out[i] = sum_j alpha_ij * x[j]
    out = jax.ops.segment_sum(x[src] * w[:, None], dst, num_segments=N)
    # AGNNLayer applies ReLU activation (default); norm=False, dropout=0.0 are no-ops
    out = jax.nn.relu(out)
    return out

if __name__ == "__main__":
    import jax
    _d = setup_inputs()
    print(jax.jit(kernel)(*tuple(_d.values())))

</pallas_src>

<mosaic_0001>
#map = affine_map<(d0, d1) -> (0, 0)>
#map1 = affine_map<(d0, d1) -> (0, 0, 0)>
module attributes {stable_mosaic.version = 14 : i64} {
  func.func @_main_body(%arg0: i32, %arg1: i32, %arg2: memref<10256x144xf32, #tpu.memory_space<hbm>>, %arg3: memref<32x5760xi32, #tpu.memory_space<hbm>>, %arg4: memref<32x5760xi32, #tpu.memory_space<hbm>>, %arg5: memref<32x5760xi32, #tpu.memory_space<hbm>>, %arg6: memref<32x5760xi32, #tpu.memory_space<hbm>>, %arg7: memref<2x5136x144xf32, #tpu.memory_space<hbm>>, %arg8: memref<2x5760xi32, #tpu.memory_space<vmem>>, %arg9: memref<2x5760xi32, #tpu.memory_space<vmem>>, %arg10: memref<80xi32, #tpu.memory_space<vmem>>, %arg11: memref<80x144xf32, #tpu.memory_space<vmem>>, %arg12: memref<80x144xf32, #tpu.memory_space<vmem>>, %arg13: memref<80x144xf32, #tpu.memory_space<vmem>>, %arg14: memref<5136x144xf32, #tpu.memory_space<vmem_shared>>, %arg15: memref<!tpu.dma_semaphore, #tpu.memory_space<semaphore_mem>>) attributes {dimension_semantics = [#tpu.dimension_semantics<core_parallel>, #tpu.dimension_semantics<subcore_parallel>], iteration_bounds = array<i64: 2, 16>, scalar_prefetch = 0 : i64, scratch_operands = 8 : i64, tpu.core_type = #tpu.core_type<sc_vector_subcore>, window_params = [{transform_indices = #map}, {transform_indices = #map}, {transform_indices = #map}, {transform_indices = #map}, {transform_indices = #map}, {transform_indices = #map1}]} {
    %mul3A = arith.constant 2 : i32
    %mul3A_0 = arith.muli %arg1, %mul3A : i32
    %eq3A = arith.constant 0 : i32
    %eq3A_1 = arith.cmpi eq, %arg0, %eq3A : i32
    %convert_element_type3A = arith.extui %eq3A_1 : i1 to i32
    %cond3A = arith.constant 0 : i32
    %cond3A_2 = arith.cmpi ne, %convert_element_type3A, %cond3A : i32
    scf.if %cond3A_2 {
      %run_scoped3A = arith.constant 0 : i32
      "tpu.region"() ({
        %run_scoped3A_51 = tpu.sem_alloc : memref<!tpu.dma_semaphore, #tpu.memory_space<semaphore_mem>>
        %dma_start3A = arith.constant 0 : i32
        %dma_start3A_52 = tpu.memref_slice %arg8[%run_scoped3A, %dma_start3A] : memref<2x5760xi32, #tpu.memory_space<vmem>> -> memref<1x5760xi32, #tpu.memory_space<vmem>>
        %dma_start3A_53 = tpu.memref_squeeze %dma_start3A_52 : memref<1x5760xi32, #tpu.memory_space<vmem>> -> memref<5760xi32, #tpu.memory_space<vmem>>
        %dma_start3A_54 = arith.constant 0 : i32
        %dma_start3A_55 = tpu.memref_slice %arg3[%mul3A_0, %dma_start3A_54] : memref<32x5760xi32, #tpu.memory_space<hbm>> -> memref<1x5760xi32, #tpu.memory_space<hbm>>
        %dma_start3A_56 = tpu.memref_squeeze %dma_start3A_55 : memref<1x5760xi32, #tpu.memory_space<hbm>> -> memref<5760xi32, #tpu.memory_space<hbm>>
        %dma_start3A_57 = arith.constant 0 : i32
        %dma_start3A_58 = tpu.memref_slice %arg8[%run_scoped3A, %dma_start3A_57] : memref<2x5760xi32, #tpu.memory_space<vmem>> -> memref<1x5760xi32, #tpu.memory_space<vmem>>
        %dma_start3A_59 = tpu.memref_squeeze %dma_start3A_58 : memref<1x5760xi32, #tpu.memory_space<vmem>> -> memref<5760xi32, #tpu.memory_space<vmem>>
        %dma_start3A_60 = arith.constant 0 : i32
        %dma_start3A_61 = tpu.memref_slice %arg3[%mul3A_0, %dma_start3A_60] : memref<32x5760xi32, #tpu.memory_space<hbm>> -> memref<1x5760xi32, #tpu.memory_space<hbm>>
        %dma_start3A_62 = tpu.memref_squeeze %dma_start3A_61 : memref<1x5760xi32, #tpu.memory_space<hbm>> -> memref<5760xi32, #tpu.memory_space<hbm>>
        tpu.enqueue_dma source(%dma_start3A_62 : memref<5760xi32, #tpu.memory_space<hbm>>) target(%dma_start3A_59 : memref<5760xi32, #tpu.memory_space<vmem>>) target_semaphore(%run_scoped3A_51 : memref<!tpu.dma_semaphore, #tpu.memory_space<semaphore_mem>>)
        %dma_wait3A = arith.constant 0 : i32
        %dma_wait3A_63 = tpu.memref_slice %arg8[%run_scoped3A, %dma_wait3A] : memref<2x5760xi32, #tpu.memory_space<vmem>> -> memref<1x5760xi32, #tpu.memory_space<vmem>>
        %dma_wait3A_64 = tpu.memref_squeeze %dma_wait3A_63 : memref<1x5760xi32, #tpu.memory_space<vmem>> -> memref<5760xi32, #tpu.memory_space<vmem>>
        %dma_wait3A_65 = arith.constant 0 : i32
        %dma_wait3A_66 = tpu.memref_slice %arg3[%mul3A_0, %dma_wait3A_65] : memref<32x5760xi32, #tpu.memory_space<hbm>> -> memref<1x5760xi32, #tpu.memory_space<hbm>>
        %dma_wait3A_67 = tpu.memref_squeeze %dma_wait3A_66 : memref<1x5760xi32, #tpu.memory_space<hbm>> -> memref<5760xi32, #tpu.memory_space<hbm>>
        %dma_wait3A_68 = arith.constant 0 : i32
        %dma_wait3A_69 = tpu.memref_slice %arg8[%run_scoped3A, %dma_wait3A_68] : memref<2x5760xi32, #tpu.memory_space<vmem>> -> memref<1x5760xi32, #tpu.memory_space<vmem>>
        %dma_wait3A_70 = tpu.memref_squeeze %dma_wait3A_69 : memref<1x5760xi32, #tpu.memory_space<vmem>> -> memref<5760xi32, #tpu.memory_space<vmem>>
        %dma_wait3A_71 = arith.constant 0 : i32
        %dma_wait3A_72 = tpu.memref_slice %arg3[%mul3A_0, %dma_wait3A_71] : memref<32x5760xi32, #tpu.memory_space<hbm>> -> memref<1x5760xi32, #tpu.memory_space<hbm>>
        %dma_wait3A_73 = tpu.memref_squeeze %dma_wait3A_72 : memref<1x5760xi32, #tpu.memory_space<hbm>> -> memref<5760xi32, #tpu.memory_space<hbm>>
        tpu.wait_dma2 semaphore(%run_scoped3A_51 : memref<!tpu.dma_semaphore, #tpu.memory_space<semaphore_mem>>) src(%dma_wait3A_73 : memref<5760xi32, #tpu.memory_space<hbm>>) dst(%dma_wait3A_70 : memref<5760xi32, #tpu.memory_space<vmem>>)
        tpu.yield
      }) : () -> ()
      %add3A_44 = arith.constant 1 : i32
      %add3A_45 = arith.addi %mul3A_0, %add3A_44 : i32
      %run_scoped3A_46 = arith.constant 1 : i32
      "tpu.region"() ({
        %run_scoped3A_51 = tpu.sem_alloc : memref<!tpu.dma_semaphore, #tpu.memory_space<semaphore_mem>>
        %dma_start3A = arith.constant 0 : i32
        %dma_start3A_52 = tpu.memref_slice %arg8[%run_scoped3A_46, %dma_start3A] : memref<2x5760xi32, #tpu.memory_space<vmem>> -> memref<1x5760xi32, #tpu.memory_space<vmem>>
        %dma_start3A_53 = tpu.memref_squeeze %dma_start3A_52 : memref<1x5760xi32, #tpu.memory_space<vmem>> -> memref<5760xi32, #tpu.memory_space<vmem>>
        %dma_start3A_54 = arith.constant 0 : i32
        %dma_start3A_55 = tpu.memref_slice %arg3[%add3A_45, %dma_start3A_54] : memref<32x5760xi32, #tpu.memory_space<hbm>> -> memref<1x5760xi32, #tpu.memory_space<hbm>>
        %dma_start3A_56 = tpu.memref_squeeze %dma_start3A_55 : memref<1x5760xi32, #tpu.memory_space<hbm>> -> memref<5760xi32, #tpu.memory_space<hbm>>
        %dma_start3A_57 = arith.constant 0 : i32
        %dma_start3A_58 = tpu.memref_slice %arg8[%run_scoped3A_46, %dma_start3A_57] : memref<2x5760xi32, #tpu.memory_space<vmem>> -> memref<1x5760xi32, #tpu.memory_space<vmem>>
        %dma_start3A_59 = tpu.memref_squeeze %dma_start3A_58 : memref<1x5760xi32, #tpu.memory_space<vmem>> -> memref<5760xi32, #tpu.memory_space<vmem>>
        %dma_start3A_60 = arith.constant 0 : i32
        %dma_start3A_61 = tpu.memref_slice %arg3[%add3A_45, %dma_start3A_60] : memref<32x5760xi32, #tpu.memory_space<hbm>> -> memref<1x5760xi32, #tpu.memory_space<hbm>>
        %dma_start3A_62 = tpu.memref_squeeze %dma_start3A_61 : memref<1x5760xi32, #tpu.memory_space<hbm>> -> memref<5760xi32, #tpu.memory_space<hbm>>
        tpu.enqueue_dma source(%dma_start3A_62 : memref<5760xi32, #tpu.memory_space<hbm>>) target(%dma_start3A_59 : memref<5760xi32, #tpu.memory_space<vmem>>) target_semaphore(%run_scoped3A_51 : memref<!tpu.dma_semaphore, #tpu.memory_space<semaphore_mem>>)
        %dma_wait3A = arith.constant 0 : i32
        %dma_wait3A_63 = tpu.memref_slice %arg8[%run_scoped3A_46, %dma_wait3A] : memref<2x5760xi32, #tpu.memory_space<vmem>> -> memref<1x5760xi32, #tpu.memory_space<vmem>>
        %dma_wait3A_64 = tpu.memref_squeeze %dma_wait3A_63 : memref<1x5760xi32, #tpu.memory_space<vmem>> -> memref<5760xi32, #tpu.memory_space<vmem>>
        %dma_wait3A_65 = arith.constant 0 : i32
        %dma_wait3A_66 = tpu.memref_slice %arg3[%add3A_45, %dma_wait3A_65] : memref<32x5760xi32, #tpu.memory_space<hbm>> -> memref<1x5760xi32, #tpu.memory_space<hbm>>
        %dma_wait3A_67 = tpu.memref_squeeze %dma_wait3A_66 : memref<1x5760xi32, #tpu.memory_space<hbm>> -> memref<5760xi32, #tpu.memory_space<hbm>>
        %dma_wait3A_68 = arith.constant 0 : i32
        %dma_wait3A_69 = tpu.memref_slice %arg8[%run_scoped3A_46, %dma_wait3A_68] : memref<2x5760xi32, #tpu.memory_space<vmem>> -> memref<1x5760xi32, #tpu.memory_space<vmem>>
        %dma_wait3A_70 = tpu.memref_squeeze %dma_wait3A_69 : memref<1x5760xi32, #tpu.memory_space<vmem>> -> memref<5760xi32, #tpu.memory_space<vmem>>
        %dma_wait3A_71 = arith.constant 0 : i32
        %dma_wait3A_72 = tpu.memref_slice %arg3[%add3A_45, %dma_wait3A_71] : memref<32x5760xi32, #tpu.memory_space<hbm>> -> memref<1x5760xi32, #tpu.memory_space<hbm>>
        %dma_wait3A_73 = tpu.memref_squeeze %dma_wait3A_72 : memref<1x5760xi32, #tpu.memory_space<hbm>> -> memref<5760xi32, #tpu.memory_space<hbm>>
        tpu.wait_dma2 semaphore(%run_scoped3A_51 : memref<!tpu.dma_semaphore, #tpu.memory_space<semaphore_mem>>) src(%dma_wait3A_73 : memref<5760xi32, #tpu.memory_space<hbm>>) dst(%dma_wait3A_70 : memref<5760xi32, #tpu.memory_space<vmem>>)
        tpu.yield
      }) : () -> ()
      %run_scoped3A_47 = arith.constant 0 : i32
      "tpu.region"() ({
        %run_scoped3A_51 = tpu.sem_alloc : memref<!tpu.dma_semaphore, #tpu.memory_space<semaphore_mem>>
        %dma_start3A = arith.constant 0 : i32
        %dma_start3A_52 = tpu.memref_slice %arg9[%run_scoped3A_47, %dma_start3A] : memref<2x5760xi32, #tpu.memory_space<vmem>> -> memref<1x5760xi32, #tpu.memory_space<vmem>>
        %dma_start3A_53 = tpu.memref_squeeze %dma_start3A_52 : memref<1x5760xi32, #tpu.memory_space<vmem>> -> memref<5760xi32, #tpu.memory_space<vmem>>
        %dma_start3A_54 = arith.constant 0 : i32
        %dma_start3A_55 = tpu.memref_slice %arg4[%mul3A_0, %dma_start3A_54] : memref<32x5760xi32, #tpu.memory_space<hbm>> -> memref<1x5760xi32, #tpu.memory_space<hbm>>
        %dma_start3A_56 = tpu.memref_squeeze %dma_start3A_55 : memref<1x5760xi32, #tpu.memory_space<hbm>> -> memref<5760xi32, #tpu.memory_space<hbm>>
        %dma_start3A_57 = arith.constant 0 : i32
        %dma_start3A_58 = tpu.memref_slice %arg9[%run_scoped3A_47, %dma_start3A_57] : memref<2x5760xi32, #tpu.memory_space<vmem>> -> memref<1x5760xi32, #tpu.memory_space<vmem>>
        %dma_start3A_59 = tpu.memref_squeeze %dma_start3A_58 : memref<1x5760xi32, #tpu.memory_space<vmem>> -> memref<5760xi32, #tpu.memory_space<vmem>>
        %dma_start3A_60 = arith.constant 0 : i32
        %dma_start3A_61 = tpu.memref_slice %arg4[%mul3A_0, %dma_start3A_60] : memref<32x5760xi32, #tpu.memory_space<hbm>> -> memref<1x5760xi32, #tpu.memory_space<hbm>>
        %dma_start3A_62 = tpu.memref_squeeze %dma_start3A_61 : memref<1x5760xi32, #tpu.memory_space<hbm>> -> memref<5760xi32, #tpu.memory_space<hbm>>
        tpu.enqueue_dma source(%dma_start3A_62 : memref<5760xi32, #tpu.memory_space<hbm>>) target(%dma_start3A_59 : memref<5760xi32, #tpu.memory_space<vmem>>) target_semaphore(%run_scoped3A_51 : memref<!tpu.dma_semaphore, #tpu.memory_space<semaphore_mem>>)
        %dma_wait3A = arith.constant 0 : i32
        %dma_wait3A_63 = tpu.memref_slice %arg9[%run_scoped3A_47, %dma_wait3A] : memref<2x5760xi32, #tpu.memory_space<vmem>> -> memref<1x5760xi32, #tpu.memory_space<vmem>>
        %dma_wait3A_64 = tpu.memref_squeeze %dma_wait3A_63 : memref<1x5760xi32, #tpu.memory_space<vmem>> -> memref<5760xi32, #tpu.memory_space<vmem>>
        %dma_wait3A_65 = arith.constant 0 : i32
        %dma_wait3A_66 = tpu.memref_slice %arg4[%mul3A_0, %dma_wait3A_65] : memref<32x5760xi32, #tpu.memory_space<hbm>> -> memref<1x5760xi32, #tpu.memory_space<hbm>>
        %dma_wait3A_67 = tpu.memref_squeeze %dma_wait3A_66 : memref<1x5760xi32, #tpu.memory_space<hbm>> -> memref<5760xi32, #tpu.memory_space<hbm>>
        %dma_wait3A_68 = arith.constant 0 : i32
        %dma_wait3A_69 = tpu.memref_slice %arg9[%run_scoped3A_47, %dma_wait3A_68] : memref<2x5760xi32, #tpu.memory_space<vmem>> -> memref<1x5760xi32, #tpu.memory_space<vmem>>
        %dma_wait3A_70 = tpu.memref_squeeze %dma_wait3A_69 : memref<1x5760xi32, #tpu.memory_space<vmem>> -> memref<5760xi32, #tpu.memory_space<vmem>>
        %dma_wait3A_71 = arith.constant 0 : i32
        %dma_wait3A_72 = tpu.memref_slice %arg4[%mul3A_0, %dma_wait3A_71] : memref<32x5760xi32, #tpu.memory_space<hbm>> -> memref<1x5760xi32, #tpu.memory_space<hbm>>
        %dma_wait3A_73 = tpu.memref_squeeze %dma_wait3A_72 : memref<1x5760xi32, #tpu.memory_space<hbm>> -> memref<5760xi32, #tpu.memory_space<hbm>>
        tpu.wait_dma2 semaphore(%run_scoped3A_51 : memref<!tpu.dma_semaphore, #tpu.memory_space<semaphore_mem>>) src(%dma_wait3A_73 : memref<5760xi32, #tpu.memory_space<hbm>>) dst(%dma_wait3A_70 : memref<5760xi32, #tpu.memory_space<vmem>>)
        tpu.yield
      }) : () -> ()
      %add3A_48 = arith.constant 1 : i32
      %add3A_49 = arith.addi %mul3A_0, %add3A_48 : i32
      %run_scoped3A_50 = arith.constant 1 : i32
      "tpu.region"() ({
        %run_scoped3A_51 = tpu.sem_alloc : memref<!tpu.dma_semaphore, #tpu.memory_space<semaphore_mem>>
        %dma_start3A = arith.constant 0 : i32
        %dma_start3A_52 = tpu.memref_slice %arg9[%run_scoped3A_50, %dma_start3A] : memref<2x5760xi32, #tpu.memory_space<vmem>> -> memref<1x5760xi32, #tpu.memory_space<vmem>>
        %dma_start3A_53 = tpu.memref_squeeze %dma_start3A_52 : memref<1x5760xi32, #tpu.memory_space<vmem>> -> memref<5760xi32, #tpu.memory_space<vmem>>
        %dma_start3A_54 = arith.constant 0 : i32
        %dma_start3A_55 = tpu.memref_slice %arg4[%add3A_49, %dma_start3A_54] : memref<32x5760xi32, #tpu.memory_space<hbm>> -> memref<1x5760xi32, #tpu.memory_space<hbm>>
        %dma_start3A_56 = tpu.memref_squeeze %dma_start3A_55 : memref<1x5760xi32, #tpu.memory_space<hbm>> -> memref<5760xi32, #tpu.memory_space<hbm>>
        %dma_start3A_57 = arith.constant 0 : i32
        %dma_start3A_58 = tpu.memref_slice %arg9[%run_scoped3A_50, %dma_start3A_57] : memref<2x5760xi32, #tpu.memory_space<vmem>> -> memref<1x5760xi32, #tpu.memory_space<vmem>>
        %dma_start3A_59 = tpu.memref_squeeze %dma_start3A_58 : memref<1x5760xi32, #tpu.memory_space<vmem>> -> memref<5760xi32, #tpu.memory_space<vmem>>
        %dma_start3A_60 = arith.constant 0 : i32
        %dma_start3A_61 = tpu.memref_slice %arg4[%add3A_49, %dma_start3A_60] : memref<32x5760xi32, #tpu.memory_space<hbm>> -> memref<1x5760xi32, #tpu.memory_space<hbm>>
        %dma_start3A_62 = tpu.memref_squeeze %dma_start3A_61 : memref<1x5760xi32, #tpu.memory_space<hbm>> -> memref<5760xi32, #tpu.memory_space<hbm>>
        tpu.enqueue_dma source(%dma_start3A_62 : memref<5760xi32, #tpu.memory_space<hbm>>) target(%dma_start3A_59 : memref<5760xi32, #tpu.memory_space<vmem>>) target_semaphore(%run_scoped3A_51 : memref<!tpu.dma_semaphore, #tpu.memory_space<semaphore_mem>>)
        %dma_wait3A = arith.constant 0 : i32
        %dma_wait3A_63 = tpu.memref_slice %arg9[%run_scoped3A_50, %dma_wait3A] : memref<2x5760xi32, #tpu.memory_space<vmem>> -> memref<1x5760xi32, #tpu.memory_space<vmem>>
        %dma_wait3A_64 = tpu.memref_squeeze %dma_wait3A_63 : memref<1x5760xi32, #tpu.memory_space<vmem>> -> memref<5760xi32, #tpu.memory_space<vmem>>
        %dma_wait3A_65 = arith.constant 0 : i32
        %dma_wait3A_66 = tpu.memref_slice %arg4[%add3A_49, %dma_wait3A_65] : memref<32x5760xi32, #tpu.memory_space<hbm>> -> memref<1x5760xi32, #tpu.memory_space<hbm>>
        %dma_wait3A_67 = tpu.memref_squeeze %dma_wait3A_66 : memref<1x5760xi32, #tpu.memory_space<hbm>> -> memref<5760xi32, #tpu.memory_space<hbm>>
        %dma_wait3A_68 = arith.constant 0 : i32
        %dma_wait3A_69 = tpu.memref_slice %arg9[%run_scoped3A_50, %dma_wait3A_68] : memref<2x5760xi32, #tpu.memory_space<vmem>> -> memref<1x5760xi32, #tpu.memory_space<vmem>>
        %dma_wait3A_70 = tpu.memref_squeeze %dma_wait3A_69 : memref<1x5760xi32, #tpu.memory_space<vmem>> -> memref<5760xi32, #tpu.memory_space<vmem>>
        %dma_wait3A_71 = arith.constant 0 : i32
        %dma_wait3A_72 = tpu.memref_slice %arg4[%add3A_49, %dma_wait3A_71] : memref<32x5760xi32, #tpu.memory_space<hbm>> -> memref<1x5760xi32, #tpu.memory_space<hbm>>
        %dma_wait3A_73 = tpu.memref_squeeze %dma_wait3A_72 : memref<1x5760xi32, #tpu.memory_space<hbm>> -> memref<5760xi32, #tpu.memory_space<hbm>>
        tpu.wait_dma2 semaphore(%run_scoped3A_51 : memref<!tpu.dma_semaphore, #tpu.memory_space<semaphore_mem>>) src(%dma_wait3A_73 : memref<5760xi32, #tpu.memory_space<hbm>>) dst(%dma_wait3A_70 : memref<5760xi32, #tpu.memory_space<vmem>>)
        tpu.yield
      }) : () -> ()
    } else {
    }
    %eq3A_3 = arith.constant 1 : i32
    %eq3A_4 = arith.cmpi eq, %arg0, %eq3A_3 : i32
    %convert_element_type3A_5 = arith.extui %eq3A_4 : i1 to i32
    %cond3A_6 = arith.constant 0 : i32
    %cond3A_7 = arith.cmpi ne, %convert_element_type3A_5, %cond3A_6 : i32
    scf.if %cond3A_7 {
      %run_scoped3A = arith.constant 0 : i32
      "tpu.region"() ({
        %run_scoped3A_51 = tpu.sem_alloc : memref<!tpu.dma_semaphore, #tpu.memory_space<semaphore_mem>>
        %dma_start3A = arith.constant 0 : i32
        %dma_start3A_52 = tpu.memref_slice %arg8[%run_scoped3A, %dma_start3A] : memref<2x5760xi32, #tpu.memory_space<vmem>> -> memref<1x5760xi32, #tpu.memory_space<vmem>>
        %dma_start3A_53 = tpu.memref_squeeze %dma_start3A_52 : memref<1x5760xi32, #tpu.memory_space<vmem>> -> memref<5760xi32, #tpu.memory_space<vmem>>
        %dma_start3A_54 = arith.constant 0 : i32
        %dma_start3A_55 = tpu.memref_slice %arg5[%mul3A_0, %dma_start3A_54] : memref<32x5760xi32, #tpu.memory_space<hbm>> -> memref<1x5760xi32, #tpu.memory_space<hbm>>
        %dma_start3A_56 = tpu.memref_squeeze %dma_start3A_55 : memref<1x5760xi32, #tpu.memory_space<hbm>> -> memref<5760xi32, #tpu.memory_space<hbm>>
        %dma_start3A_57 = arith.constant 0 : i32
        %dma_start3A_58 = tpu.memref_slice %arg8[%run_scoped3A, %dma_start3A_57] : memref<2x5760xi32, #tpu.memory_space<vmem>> -> memref<1x5760xi32, #tpu.memory_space<vmem>>
        %dma_start3A_59 = tpu.memref_squeeze %dma_start3A_58 : memref<1x5760xi32, #tpu.memory_space<vmem>> -> memref<5760xi32, #tpu.memory_space<vmem>>
        %dma_start3A_60 = arith.constant 0 : i32
        %dma_start3A_61 = tpu.memref_slice %arg5[%mul3A_0, %dma_start3A_60] : memref<32x5760xi32, #tpu.memory_space<hbm>> -> memref<1x5760xi32, #tpu.memory_space<hbm>>
        %dma_start3A_62 = tpu.memref_squeeze %dma_start3A_61 : memref<1x5760xi32, #tpu.memory_space<hbm>> -> memref<5760xi32, #tpu.memory_space<hbm>>
        tpu.enqueue_dma source(%dma_start3A_62 : memref<5760xi32, #tpu.memory_space<hbm>>) target(%dma_start3A_59 : memref<5760xi32, #tpu.memory_space<vmem>>) target_semaphore(%run_scoped3A_51 : memref<!tpu.dma_semaphore, #tpu.memory_space<semaphore_mem>>)
        %dma_wait3A = arith.constant 0 : i32
        %dma_wait3A_63 = tpu.memref_slice %arg8[%run_scoped3A, %dma_wait3A] : memref<2x5760xi32, #tpu.memory_space<vmem>> -> memref<1x5760xi32, #tpu.memory_space<vmem>>
        %dma_wait3A_64 = tpu.memref_squeeze %dma_wait3A_63 : memref<1x5760xi32, #tpu.memory_space<vmem>> -> memref<5760xi32, #tpu.memory_space<vmem>>
        %dma_wait3A_65 = arith.constant 0 : i32
        %dma_wait3A_66 = tpu.memref_slice %arg5[%mul3A_0, %dma_wait3A_65] : memref<32x5760xi32, #tpu.memory_space<hbm>> -> memref<1x5760xi32, #tpu.memory_space<hbm>>
        %dma_wait3A_67 = tpu.memref_squeeze %dma_wait3A_66 : memref<1x5760xi32, #tpu.memory_space<hbm>> -> memref<5760xi32, #tpu.memory_space<hbm>>
        %dma_wait3A_68 = arith.constant 0 : i32
        %dma_wait3A_69 = tpu.memref_slice %arg8[%run_scoped3A, %dma_wait3A_68] : memref<2x5760xi32, #tpu.memory_space<vmem>> -> memref<1x5760xi32, #tpu.memory_space<vmem>>
        %dma_wait3A_70 = tpu.memref_squeeze %dma_wait3A_69 : memref<1x5760xi32, #tpu.memory_space<vmem>> -> memref<5760xi32, #tpu.memory_space<vmem>>
        %dma_wait3A_71 = arith.constant 0 : i32
        %dma_wait3A_72 = tpu.memref_slice %arg5[%mul3A_0, %dma_wait3A_71] : memref<32x5760xi32, #tpu.memory_space<hbm>> -> memref<1x5760xi32, #tpu.memory_space<hbm>>
        %dma_wait3A_73 = tpu.memref_squeeze %dma_wait3A_72 : memref<1x5760xi32, #tpu.memory_space<hbm>> -> memref<5760xi32, #tpu.memory_space<hbm>>
        tpu.wait_dma2 semaphore(%run_scoped3A_51 : memref<!tpu.dma_semaphore, #tpu.memory_space<semaphore_mem>>) src(%dma_wait3A_73 : memref<5760xi32, #tpu.memory_space<hbm>>) dst(%dma_wait3A_70 : memref<5760xi32, #tpu.memory_space<vmem>>)
        tpu.yield
      }) : () -> ()
      %add3A_44 = arith.constant 1 : i32
      %add3A_45 = arith.addi %mul3A_0, %add3A_44 : i32
      %run_scoped3A_46 = arith.constant 1 : i32
      "tpu.region"() ({
        %run_scoped3A_51 = tpu.sem_alloc : memref<!tpu.dma_semaphore, #tpu.memory_space<semaphore_mem>>
        %dma_start3A = arith.constant 0 : i32
        %dma_start3A_52 = tpu.memref_slice %arg8[%run_scoped3A_46, %dma_start3A] : memref<2x5760xi32, #tpu.memory_space<vmem>> -> memref<1x5760xi32, #tpu.memory_space<vmem>>
        %dma_start3A_53 = tpu.memref_squeeze %dma_start3A_52 : memref<1x5760xi32, #tpu.memory_space<vmem>> -> memref<5760xi32, #tpu.memory_space<vmem>>
        %dma_start3A_54 = arith.constant 0 : i32
        %dma_start3A_55 = tpu.memref_slice %arg5[%add3A_45, %dma_start3A_54] : memref<32x5760xi32, #tpu.memory_space<hbm>> -> memref<1x5760xi32, #tpu.memory_space<hbm>>
        %dma_start3A_56 = tpu.memref_squeeze %dma_start3A_55 : memref<1x5760xi32, #tpu.memory_space<hbm>> -> memref<5760xi32, #tpu.memory_space<hbm>>
        %dma_start3A_57 = arith.constant 0 : i32
        %dma_start3A_58 = tpu.memref_slice %arg8[%run_scoped3A_46, %dma_start3A_57] : memref<2x5760xi32, #tpu.memory_space<vmem>> -> memref<1x5760xi32, #tpu.memory_space<vmem>>
        %dma_start3A_59 = tpu.memref_squeeze %dma_start3A_58 : memref<1x5760xi32, #tpu.memory_space<vmem>> -> memref<5760xi32, #tpu.memory_space<vmem>>
        %dma_start3A_60 = arith.constant 0 : i32
        %dma_start3A_61 = tpu.memref_slice %arg5[%add3A_45, %dma_start3A_60] : memref<32x5760xi32, #tpu.memory_space<hbm>> -> memref<1x5760xi32, #tpu.memory_space<hbm>>
        %dma_start3A_62 = tpu.memref_squeeze %dma_start3A_61 : memref<1x5760xi32, #tpu.memory_space<hbm>> -> memref<5760xi32, #tpu.memory_space<hbm>>
        tpu.enqueue_dma source(%dma_start3A_62 : memref<5760xi32, #tpu.memory_space<hbm>>) target(%dma_start3A_59 : memref<5760xi32, #tpu.memory_space<vmem>>) target_semaphore(%run_scoped3A_51 : memref<!tpu.dma_semaphore, #tpu.memory_space<semaphore_mem>>)
        %dma_wait3A = arith.constant 0 : i32
        %dma_wait3A_63 = tpu.memref_slice %arg8[%run_scoped3A_46, %dma_wait3A] : memref<2x5760xi32, #tpu.memory_space<vmem>> -> memref<1x5760xi32, #tpu.memory_space<vmem>>
        %dma_wait3A_64 = tpu.memref_squeeze %dma_wait3A_63 : memref<1x5760xi32, #tpu.memory_space<vmem>> -> memref<5760xi32, #tpu.memory_space<vmem>>
        %dma_wait3A_65 = arith.constant 0 : i32
        %dma_wait3A_66 = tpu.memref_slice %arg5[%add3A_45, %dma_wait3A_65] : memref<32x5760xi32, #tpu.memory_space<hbm>> -> memref<1x5760xi32, #tpu.memory_space<hbm>>
        %dma_wait3A_67 = tpu.memref_squeeze %dma_wait3A_66 : memref<1x5760xi32, #tpu.memory_space<hbm>> -> memref<5760xi32, #tpu.memory_space<hbm>>
        %dma_wait3A_68 = arith.constant 0 : i32
        %dma_wait3A_69 = tpu.memref_slice %arg8[%run_scoped3A_46, %dma_wait3A_68] : memref<2x5760xi32, #tpu.memory_space<vmem>> -> memref<1x5760xi32, #tpu.memory_space<vmem>>
        %dma_wait3A_70 = tpu.memref_squeeze %dma_wait3A_69 : memref<1x5760xi32, #tpu.memory_space<vmem>> -> memref<5760xi32, #tpu.memory_space<vmem>>
        %dma_wait3A_71 = arith.constant 0 : i32
        %dma_wait3A_72 = tpu.memref_slice %arg5[%add3A_45, %dma_wait3A_71] : memref<32x5760xi32, #tpu.memory_space<hbm>> -> memref<1x5760xi32, #tpu.memory_space<hbm>>
        %dma_wait3A_73 = tpu.memref_squeeze %dma_wait3A_72 : memref<1x5760xi32, #tpu.memory_space<hbm>> -> memref<5760xi32, #tpu.memory_space<hbm>>
        tpu.wait_dma2 semaphore(%run_scoped3A_51 : memref<!tpu.dma_semaphore, #tpu.memory_space<semaphore_mem>>) src(%dma_wait3A_73 : memref<5760xi32, #tpu.memory_space<hbm>>) dst(%dma_wait3A_70 : memref<5760xi32, #tpu.memory_space<vmem>>)
        tpu.yield
      }) : () -> ()
      %run_scoped3A_47 = arith.constant 0 : i32
      "tpu.region"() ({
        %run_scoped3A_51 = tpu.sem_alloc : memref<!tpu.dma_semaphore, #tpu.memory_space<semaphore_mem>>
        %dma_start3A = arith.constant 0 : i32
        %dma_start3A_52 = tpu.memref_slice %arg9[%run_scoped3A_47, %dma_start3A] : memref<2x5760xi32, #tpu.memory_space<vmem>> -> memref<1x5760xi32, #tpu.memory_space<vmem>>
        %dma_start3A_53 = tpu.memref_squeeze %dma_start3A_52 : memref<1x5760xi32, #tpu.memory_space<vmem>> -> memref<5760xi32, #tpu.memory_space<vmem>>
        %dma_start3A_54 = arith.constant 0 : i32
        %dma_start3A_55 = tpu.memref_slice %arg6[%mul3A_0, %dma_start3A_54] : memref<32x5760xi32, #tpu.memory_space<hbm>> -> memref<1x5760xi32, #tpu.memory_space<hbm>>
        %dma_start3A_56 = tpu.memref_squeeze %dma_start3A_55 : memref<1x5760xi32, #tpu.memory_space<hbm>> -> memref<5760xi32, #tpu.memory_space<hbm>>
        %dma_start3A_57 = arith.constant 0 : i32
        %dma_start3A_58 = tpu.memref_slice %arg9[%run_scoped3A_47, %dma_start3A_57] : memref<2x5760xi32, #tpu.memory_space<vmem>> -> memref<1x5760xi32, #tpu.memory_space<vmem>>
        %dma_start3A_59 = tpu.memref_squeeze %dma_start3A_58 : memref<1x5760xi32, #tpu.memory_space<vmem>> -> memref<5760xi32, #tpu.memory_space<vmem>>
        %dma_start3A_60 = arith.constant 0 : i32
        %dma_start3A_61 = tpu.memref_slice %arg6[%mul3A_0, %dma_start3A_60] : memref<32x5760xi32, #tpu.memory_space<hbm>> -> memref<1x5760xi32, #tpu.memory_space<hbm>>
        %dma_start3A_62 = tpu.memref_squeeze %dma_start3A_61 : memref<1x5760xi32, #tpu.memory_space<hbm>> -> memref<5760xi32, #tpu.memory_space<hbm>>
        tpu.enqueue_dma source(%dma_start3A_62 : memref<5760xi32, #tpu.memory_space<hbm>>) target(%dma_start3A_59 : memref<5760xi32, #tpu.memory_space<vmem>>) target_semaphore(%run_scoped3A_51 : memref<!tpu.dma_semaphore, #tpu.memory_space<semaphore_mem>>)
        %dma_wait3A = arith.constant 0 : i32
        %dma_wait3A_63 = tpu.memref_slice %arg9[%run_scoped3A_47, %dma_wait3A] : memref<2x5760xi32, #tpu.memory_space<vmem>> -> memref<1x5760xi32, #tpu.memory_space<vmem>>
        %dma_wait3A_64 = tpu.memref_squeeze %dma_wait3A_63 : memref<1x5760xi32, #tpu.memory_space<vmem>> -> memref<5760xi32, #tpu.memory_space<vmem>>
        %dma_wait3A_65 = arith.constant 0 : i32
        %dma_wait3A_66 = tpu.memref_slice %arg6[%mul3A_0, %dma_wait3A_65] : memref<32x5760xi32, #tpu.memory_space<hbm>> -> memref<1x5760xi32, #tpu.memory_space<hbm>>
        %dma_wait3A_67 = tpu.memref_squeeze %dma_wait3A_66 : memref<1x5760xi32, #tpu.memory_space<hbm>> -> memref<5760xi32, #tpu.memory_space<hbm>>
        %dma_wait3A_68 = arith.constant 0 : i32
        %dma_wait3A_69 = tpu.memref_slice %arg9[%run_scoped3A_47, %dma_wait3A_68] : memref<2x5760xi32, #tpu.memory_space<vmem>> -> memref<1x5760xi32, #tpu.memory_space<vmem>>
        %dma_wait3A_70 = tpu.memref_squeeze %dma_wait3A_69 : memref<1x5760xi32, #tpu.memory_space<vmem>> -> memref<5760xi32, #tpu.memory_space<vmem>>
        %dma_wait3A_71 = arith.constant 0 : i32
        %dma_wait3A_72 = tpu.memref_slice %arg6[%mul3A_0, %dma_wait3A_71] : memref<32x5760xi32, #tpu.memory_space<hbm>> -> memref<1x5760xi32, #tpu.memory_space<hbm>>
        %dma_wait3A_73 = tpu.memref_squeeze %dma_wait3A_72 : memref<1x5760xi32, #tpu.memory_space<hbm>> -> memref<5760xi32, #tpu.memory_space<hbm>>
        tpu.wait_dma2 semaphore(%run_scoped3A_51 : memref<!tpu.dma_semaphore, #tpu.memory_space<semaphore_mem>>) src(%dma_wait3A_73 : memref<5760xi32, #tpu.memory_space<hbm>>) dst(%dma_wait3A_70 : memref<5760xi32, #tpu.memory_space<vmem>>)
        tpu.yield
      }) : () -> ()
      %add3A_48 = arith.constant 1 : i32
      %add3A_49 = arith.addi %mul3A_0, %add3A_48 : i32
      %run_scoped3A_50 = arith.constant 1 : i32
      "tpu.region"() ({
        %run_scoped3A_51 = tpu.sem_alloc : memref<!tpu.dma_semaphore, #tpu.memory_space<semaphore_mem>>
        %dma_start3A = arith.constant 0 : i32
        %dma_start3A_52 = tpu.memref_slice %arg9[%run_scoped3A_50, %dma_start3A] : memref<2x5760xi32, #tpu.memory_space<vmem>> -> memref<1x5760xi32, #tpu.memory_space<vmem>>
        %dma_start3A_53 = tpu.memref_squeeze %dma_start3A_52 : memref<1x5760xi32, #tpu.memory_space<vmem>> -> memref<5760xi32, #tpu.memory_space<vmem>>
        %dma_start3A_54 = arith.constant 0 : i32
        %dma_start3A_55 = tpu.memref_slice %arg6[%add3A_49, %dma_start3A_54] : memref<32x5760xi32, #tpu.memory_space<hbm>> -> memref<1x5760xi32, #tpu.memory_space<hbm>>
        %dma_start3A_56 = tpu.memref_squeeze %dma_start3A_55 : memref<1x5760xi32, #tpu.memory_space<hbm>> -> memref<5760xi32, #tpu.memory_space<hbm>>
        %dma_start3A_57 = arith.constant 0 : i32
        %dma_start3A_58 = tpu.memref_slice %arg9[%run_scoped3A_50, %dma_start3A_57] : memref<2x5760xi32, #tpu.memory_space<vmem>> -> memref<1x5760xi32, #tpu.memory_space<vmem>>
        %dma_start3A_59 = tpu.memref_squeeze %dma_start3A_58 : memref<1x5760xi32, #tpu.memory_space<vmem>> -> memref<5760xi32, #tpu.memory_space<vmem>>
        %dma_start3A_60 = arith.constant 0 : i32
        %dma_start3A_61 = tpu.memref_slice %arg6[%add3A_49, %dma_start3A_60] : memref<32x5760xi32, #tpu.memory_space<hbm>> -> memref<1x5760xi32, #tpu.memory_space<hbm>>
        %dma_start3A_62 = tpu.memref_squeeze %dma_start3A_61 : memref<1x5760xi32, #tpu.memory_space<hbm>> -> memref<5760xi32, #tpu.memory_space<hbm>>
        tpu.enqueue_dma source(%dma_start3A_62 : memref<5760xi32, #tpu.memory_space<hbm>>) target(%dma_start3A_59 : memref<5760xi32, #tpu.memory_space<vmem>>) target_semaphore(%run_scoped3A_51 : memref<!tpu.dma_semaphore, #tpu.memory_space<semaphore_mem>>)
        %dma_wait3A = arith.constant 0 : i32
        %dma_wait3A_63 = tpu.memref_slice %arg9[%run_scoped3A_50, %dma_wait3A] : memref<2x5760xi32, #tpu.memory_space<vmem>> -> memref<1x5760xi32, #tpu.memory_space<vmem>>
        %dma_wait3A_64 = tpu.memref_squeeze %dma_wait3A_63 : memref<1x5760xi32, #tpu.memory_space<vmem>> -> memref<5760xi32, #tpu.memory_space<vmem>>
        %dma_wait3A_65 = arith.constant 0 : i32
        %dma_wait3A_66 = tpu.memref_slice %arg6[%add3A_49, %dma_wait3A_65] : memref<32x5760xi32, #tpu.memory_space<hbm>> -> memref<1x5760xi32, #tpu.memory_space<hbm>>
        %dma_wait3A_67 = tpu.memref_squeeze %dma_wait3A_66 : memref<1x5760xi32, #tpu.memory_space<hbm>> -> memref<5760xi32, #tpu.memory_space<hbm>>
        %dma_wait3A_68 = arith.constant 0 : i32
        %dma_wait3A_69 = tpu.memref_slice %arg9[%run_scoped3A_50, %dma_wait3A_68] : memref<2x5760xi32, #tpu.memory_space<vmem>> -> memref<1x5760xi32, #tpu.memory_space<vmem>>
        %dma_wait3A_70 = tpu.memref_squeeze %dma_wait3A_69 : memref<1x5760xi32, #tpu.memory_space<vmem>> -> memref<5760xi32, #tpu.memory_space<vmem>>
        %dma_wait3A_71 = arith.constant 0 : i32
        %dma_wait3A_72 = tpu.memref_slice %arg6[%add3A_49, %dma_wait3A_71] : memref<32x5760xi32, #tpu.memory_space<hbm>> -> memref<1x5760xi32, #tpu.memory_space<hbm>>
        %dma_wait3A_73 = tpu.memref_squeeze %dma_wait3A_72 : memref<1x5760xi32, #tpu.memory_space<hbm>> -> memref<5760xi32, #tpu.memory_space<hbm>>
        tpu.wait_dma2 semaphore(%run_scoped3A_51 : memref<!tpu.dma_semaphore, #tpu.memory_space<semaphore_mem>>) src(%dma_wait3A_73 : memref<5760xi32, #tpu.memory_space<hbm>>) dst(%dma_wait3A_70 : memref<5760xi32, #tpu.memory_space<vmem>>)
        tpu.yield
      }) : () -> ()
    } else {
    }
    %broadcast_in_dim3A = arith.constant 0.000000e+00 : f32
    %broadcast_in_dim3A_8 = vector.broadcast %broadcast_in_dim3A : f32 to vector<16xf32>
    %scan3A = arith.constant 0 : i32
    %scan3A_9 = arith.constant 0 : i32
    %scan3A_10 = arith.constant 80 : i32
    %scan3A_11 = arith.addi %scan3A_9, %scan3A_10 : i32
    %scan3A_12 = arith.constant 1 : i32
    %scan3A_13 = scf.for %scan3A_44 = %scan3A_9 to %scan3A_11 step %scan3A_12 iter_args(%scan3A_45 = %scan3A) -> (i32)  : i32 {
      %swap3A = arith.index_cast %scan3A_44 : i32 to index
      %swap3A_46 = arith.constant 0 : index
      %swap3A_47 = tpu.vector_load %arg13[%swap3A, %swap3A_46] {strides = array<i32>} : memref<80x144xf32, #tpu.memory_space<vmem>>, vector<16xf32>,
      tpu.vector_store %arg13[%swap3A, %swap3A_46], %broadcast_in_dim3A_8 {strides = array<i32>} : memref<80x144xf32, #tpu.memory_space<vmem>>, vector<16xf32>,
      %swap3A_48 = arith.index_cast %scan3A_44 : i32 to index
      %swap3A_49 = arith.constant 16 : index
      %swap3A_50 = tpu.vector_load %arg13[%swap3A_48, %swap3A_49] {strides = array<i32>} : memref<80x144xf32, #tpu.memory_space<vmem>>, vector<16xf32>,
      tpu.vector_store %arg13[%swap3A_48, %swap3A_49], %broadcast_in_dim3A_8 {strides = array<i32>} : memref<80x144xf32, #tpu.memory_space<vmem>>, vector<16xf32>,
      %swap3A_51 = arith.index_cast %scan3A_44 : i32 to index
      %swap3A_52 = arith.constant 32 : index
      %swap3A_53 = tpu.vector_load %arg13[%swap3A_51, %swap3A_52] {strides = array<i32>} : memref<80x144xf32, #tpu.memory_space<vmem>>, vector<16xf32>,
      tpu.vector_store %arg13[%swap3A_51, %swap3A_52], %broadcast_in_dim3A_8 {strides = array<i32>} : memref<80x144xf32, #tpu.memory_space<vmem>>, vector<16xf32>,
      %swap3A_54 = arith.index_cast %scan3A_44 : i32 to index
      %swap3A_55 = arith.constant 48 : index
      %swap3A_56 = tpu.vector_load %arg13[%swap3A_54, %swap3A_55] {strides = array<i32>} : memref<80x144xf32, #tpu.memory_space<vmem>>, vector<16xf32>,
      tpu.vector_store %arg13[%swap3A_54, %swap3A_55], %broadcast_in_dim3A_8 {strides = array<i32>} : memref<80x144xf32, #tpu.memory_space<vmem>>, vector<16xf32>,
      %swap3A_57 = arith.index_cast %scan3A_44 : i32 to index
      %swap3A_58 = arith.constant 64 : index
      %swap3A_59 = tpu.vector_load %arg13[%swap3A_57, %swap3A_58] {strides = array<i32>} : memref<80x144xf32, #tpu.memory_space<vmem>>, vector<16xf32>,
      tpu.vector_store %arg13[%swap3A_57, %swap3A_58], %broadcast_in_dim3A_8 {strides = array<i32>} : memref<80x144xf32, #tpu.memory_space<vmem>>, vector<16xf32>,
      %swap3A_60 = arith.index_cast %scan3A_44 : i32 to index
      %swap3A_61 = arith.constant 80 : index
      %swap3A_62 = tpu.vector_load %arg13[%swap3A_60, %swap3A_61] {strides = array<i32>} : memref<80x144xf32, #tpu.memory_space<vmem>>, vector<16xf32>,
      tpu.vector_store %arg13[%swap3A_60, %swap3A_61], %broadcast_in_dim3A_8 {strides = array<i32>} : memref<80x144xf32, #tpu.memory_space<vmem>>, vector<16xf32>,
      %swap3A_63 = arith.index_cast %scan3A_44 : i32 to index
      %swap3A_64 = arith.constant 96 : index
      %swap3A_65 = tpu.vector_load %arg13[%swap3A_63, %swap3A_64] {strides = array<i32>} : memref<80x144xf32, #tpu.memory_space<vmem>>, vector<16xf32>,
      tpu.vector_store %arg13[%swap3A_63, %swap3A_64], %broadcast_in_dim3A_8 {strides = array<i32>} : memref<80x144xf32, #tpu.memory_space<vmem>>, vector<16xf32>,
      %swap3A_66 = arith.index_cast %scan3A_44 : i32 to index
      %swap3A_67 = arith.constant 112 : index
      %swap3A_68 = tpu.vector_load %arg13[%swap3A_66, %swap3A_67] {strides = array<i32>} : memref<80x144xf32, #tpu.memory_space<vmem>>, vector<16xf32>,
      tpu.vector_store %arg13[%swap3A_66, %swap3A_67], %broadcast_in_dim3A_8 {strides = array<i32>} : memref<80x144xf32, #tpu.memory_space<vmem>>, vector<16xf32>,
      %swap3A_69 = arith.index_cast %scan3A_44 : i32 to index
      %swap3A_70 = arith.constant 128 : index
      %swap3A_71 = tpu.vector_load %arg13[%swap3A_69, %swap3A_70] {strides = array<i32>} : memref<80x144xf32, #tpu.memory_space<vmem>>, vector<16xf32>,
      tpu.vector_store %arg13[%swap3A_69, %swap3A_70], %broadcast_in_dim3A_8 {strides = array<i32>} : memref<80x144xf32, #tpu.memory_space<vmem>>, vector<16xf32>,
      %scan3A_72 = arith.constant 0 : i32
      scf.yield %scan3A_72 : i32
    }
    %scan3A_14 = arith.constant 80 : i32
    %mul3A_15 = arith.constant 320 : i32
    %mul3A_16 = arith.muli %arg1, %mul3A_15 : i32
    %add3A = arith.constant 0 : i32
    %add3A_17 = arith.addi %mul3A_16, %add3A : i32
    "tpu.region"() ({
      %run_scoped3A = tpu.sem_alloc : memref<!tpu.dma_semaphore, #tpu.memory_space<semaphore_mem>>
      %dma_start3A = arith.constant 0 : i32
      %dma_start3A_44 = tpu.memref_slice %arg14[%add3A_17, %dma_start3A] : memref<5136x144xf32, #tpu.memory_space<vmem_shared>> -> memref<80x144xf32, #tpu.memory_space<vmem_shared>>
      %dma_start3A_45 = arith.constant 0 : i32
      %dma_start3A_46 = tpu.memref_slice %arg14[%add3A_17, %dma_start3A_45] : memref<5136x144xf32, #tpu.memory_space<vmem_shared>> -> memref<80x144xf32, #tpu.memory_space<vmem_shared>>
      tpu.enqueue_dma source(%arg13 : memref<80x144xf32, #tpu.memory_space<vmem>>) target(%dma_start3A_46 : memref<80x144xf32, #tpu.memory_space<vmem_shared>>) target_semaphore(%run_scoped3A : memref<!tpu.dma_semaphore, #tpu.memory_space<semaphore_mem>>)
      %dma_wait3A = arith.constant 0 : i32
      %dma_wait3A_47 = tpu.memref_slice %arg14[%add3A_17, %dma_wait3A] : memref<5136x144xf32, #tpu.memory_space<vmem_shared>> -> memref<80x144xf32, #tpu.memory_space<vmem_shared>>
      %dma_wait3A_48 = arith.constant 0 : i32
      %dma_wait3A_49 = tpu.memref_slice %arg14[%add3A_17, %dma_wait3A_48] : memref<5136x144xf32, #tpu.memory_space<vmem_shared>> -> memref<80x144xf32, #tpu.memory_space<vmem_shared>>
      tpu.wait_dma2 semaphore(%run_scoped3A : memref<!tpu.dma_semaphore, #tpu.memory_space<semaphore_mem>>) src(%arg13 : memref<80x144xf32, #tpu.memory_space<vmem>>) dst(%dma_wait3A_49 : memref<80x144xf32, #tpu.memory_space<vmem_shared>>)
      tpu.yield
    }) : () -> ()
    %add3A_18 = arith.constant 80 : i32
    %add3A_19 = arith.addi %mul3A_16, %add3A_18 : i32
    "tpu.region"() ({
      %run_scoped3A = tpu.sem_alloc : memref<!tpu.dma_semaphore, #tpu.memory_space<semaphore_mem>>
      %dma_start3A = arith.constant 0 : i32
      %dma_start3A_44 = tpu.memref_slice %arg14[%add3A_19, %dma_start3A] : memref<5136x144xf32, #tpu.memory_space<vmem_shared>> -> memref<80x144xf32, #tpu.memory_space<vmem_shared>>
      %dma_start3A_45 = arith.constant 0 : i32
      %dma_start3A_46 = tpu.memref_slice %arg14[%add3A_19, %dma_start3A_45] : memref<5136x144xf32, #tpu.memory_space<vmem_shared>> -> memref<80x144xf32, #tpu.memory_space<vmem_shared>>
      tpu.enqueue_dma source(%arg13 : memref<80x144xf32, #tpu.memory_space<vmem>>) target(%dma_start3A_46 : memref<80x144xf32, #tpu.memory_space<vmem_shared>>) target_semaphore(%run_scoped3A : memref<!tpu.dma_semaphore, #tpu.memory_space<semaphore_mem>>)
      %dma_wait3A = arith.constant 0 : i32
      %dma_wait3A_47 = tpu.memref_slice %arg14[%add3A_19, %dma_wait3A] : memref<5136x144xf32, #tpu.memory_space<vmem_shared>> -> memref<80x144xf32, #tpu.memory_space<vmem_shared>>
      %dma_wait3A_48 = arith.constant 0 : i32
      %dma_wait3A_49 = tpu.memref_slice %arg14[%add3A_19, %dma_wait3A_48] : memref<5136x144xf32, #tpu.memory_space<vmem_shared>> -> memref<80x144xf32, #tpu.memory_space<vmem_shared>>
      tpu.wait_dma2 semaphore(%run_scoped3A : memref<!tpu.dma_semaphore, #tpu.memory_space<semaphore_mem>>) src(%arg13 : memref<80x144xf32, #tpu.memory_space<vmem>>) dst(%dma_wait3A_49 : memref<80x144xf32, #tpu.memory_space<vmem_shared>>)
      tpu.yield
    }) : () -> ()
    %add3A_20 = arith.constant 160 : i32
    %add3A_21 = arith.addi %mul3A_16, %add3A_20 : i32
    "tpu.region"() ({
      %run_scoped3A = tpu.sem_alloc : memref<!tpu.dma_semaphore, #tpu.memory_space<semaphore_mem>>
      %dma_start3A = arith.constant 0 : i32
      %dma_start3A_44 = tpu.memref_slice %arg14[%add3A_21, %dma_start3A] : memref<5136x144xf32, #tpu.memory_space<vmem_shared>> -> memref<80x144xf32, #tpu.memory_space<vmem_shared>>
      %dma_start3A_45 = arith.constant 0 : i32
      %dma_start3A_46 = tpu.memref_slice %arg14[%add3A_21, %dma_start3A_45] : memref<5136x144xf32, #tpu.memory_space<vmem_shared>> -> memref<80x144xf32, #tpu.memory_space<vmem_shared>>
      tpu.enqueue_dma source(%arg13 : memref<80x144xf32, #tpu.memory_space<vmem>>) target(%dma_start3A_46 : memref<80x144xf32, #tpu.memory_space<vmem_shared>>) target_semaphore(%run_scoped3A : memref<!tpu.dma_semaphore, #tpu.memory_space<semaphore_mem>>)
      %dma_wait3A = arith.constant 0 : i32
      %dma_wait3A_47 = tpu.memref_slice %arg14[%add3A_21, %dma_wait3A] : memref<5136x144xf32, #tpu.memory_space<vmem_shared>> -> memref<80x144xf32, #tpu.memory_space<vmem_shared>>
      %dma_wait3A_48 = arith.constant 0 : i32
      %dma_wait3A_49 = tpu.memref_slice %arg14[%add3A_21, %dma_wait3A_48] : memref<5136x144xf32, #tpu.memory_space<vmem_shared>> -> memref<80x144xf32, #tpu.memory_space<vmem_shared>>
      tpu.wait_dma2 semaphore(%run_scoped3A : memref<!tpu.dma_semaphore, #tpu.memory_space<semaphore_mem>>) src(%arg13 : memref<80x144xf32, #tpu.memory_space<vmem>>) dst(%dma_wait3A_49 : memref<80x144xf32, #tpu.memory_space<vmem_shared>>)
      tpu.yield
    }) : () -> ()
    %add3A_22 = arith.constant 240 : i32
    %add3A_23 = arith.addi %mul3A_16, %add3A_22 : i32
    "tpu.region"() ({
      %run_scoped3A = tpu.sem_alloc : memref<!tpu.dma_semaphore, #tpu.memory_space<semaphore_mem>>
      %dma_start3A = arith.constant 0 : i32
      %dma_start3A_44 = tpu.memref_slice %arg14[%add3A_23, %dma_start3A] : memref<5136x144xf32, #tpu.memory_space<vmem_shared>> -> memref<80x144xf32, #tpu.memory_space<vmem_shared>>
      %dma_start3A_45 = arith.constant 0 : i32
      %dma_start3A_46 = tpu.memref_slice %arg14[%add3A_23, %dma_start3A_45] : memref<5136x144xf32, #tpu.memory_space<vmem_shared>> -> memref<80x144xf32, #tpu.memory_space<vmem_shared>>
      tpu.enqueue_dma source(%arg13 : memref<80x144xf32, #tpu.memory_space<vmem>>) target(%dma_start3A_46 : memref<80x144xf32, #tpu.memory_space<vmem_shared>>) target_semaphore(%run_scoped3A : memref<!tpu.dma_semaphore, #tpu.memory_space<semaphore_mem>>)
      %dma_wait3A = arith.constant 0 : i32
      %dma_wait3A_47 = tpu.memref_slice %arg14[%add3A_23, %dma_wait3A] : memref<5136x144xf32, #tpu.memory_space<vmem_shared>> -> memref<80x144xf32, #tpu.memory_space<vmem_shared>>
      %dma_wait3A_48 = arith.constant 0 : i32
      %dma_wait3A_49 = tpu.memref_slice %arg14[%add3A_23, %dma_wait3A_48] : memref<5136x144xf32, #tpu.memory_space<vmem_shared>> -> memref<80x144xf32, #tpu.memory_space<vmem_shared>>
      tpu.wait_dma2 semaphore(%run_scoped3A : memref<!tpu.dma_semaphore, #tpu.memory_space<semaphore_mem>>) src(%arg13 : memref<80x144xf32, #tpu.memory_space<vmem>>) dst(%dma_wait3A_49 : memref<80x144xf32, #tpu.memory_space<vmem_shared>>)
      tpu.yield
    }) : () -> ()
    %eq3A_24 = arith.constant 15 : i32
    %eq3A_25 = arith.cmpi eq, %arg1, %eq3A_24 : i32
    %convert_element_type3A_26 = arith.extui %eq3A_25 : i1 to i32
    %cond3A_27 = arith.constant 0 : i32
    %cond3A_28 = arith.cmpi ne, %convert_element_type3A_26, %cond3A_27 : i32
    scf.if %cond3A_28 {
      "tpu.region"() ({
        %run_scoped3A = tpu.sem_alloc : memref<!tpu.dma_semaphore, #tpu.memory_space<semaphore_mem>>
        %dma_start3A = arith.constant 0 : i32
        %dma_start3A_44 = arith.constant 0 : i32
        %dma_start3A_45 = tpu.memref_slice %arg13[%dma_start3A, %dma_start3A_44] : memref<80x144xf32, #tpu.memory_space<vmem>> -> memref<16x144xf32, #tpu.memory_space<vmem>>
        %dma_start3A_46 = arith.constant 5120 : i32
        %dma_start3A_47 = arith.constant 0 : i32
        %dma_start3A_48 = tpu.memref_slice %arg14[%dma_start3A_46, %dma_start3A_47] : memref<5136x144xf32, #tpu.memory_space<vmem_shared>> -> memref<16x144xf32, #tpu.memory_space<vmem_shared>>
        %dma_start3A_49 = arith.constant 5120 : i32
        %dma_start3A_50 = arith.constant 0 : i32
        %dma_start3A_51 = tpu.memref_slice %arg14[%dma_start3A_49, %dma_start3A_50] : memref<5136x144xf32, #tpu.memory_space<vmem_shared>> -> memref<16x144xf32, #tpu.memory_space<vmem_shared>>
        %dma_start3A_52 = arith.constant 0 : i32
        %dma_start3A_53 = arith.constant 0 : i32
        %dma_start3A_54 = tpu.memref_slice %arg13[%dma_start3A_52, %dma_start3A_53] : memref<80x144xf32, #tpu.memory_space<vmem>> -> memref<16x144xf32, #tpu.memory_space<vmem>>
        tpu.enqueue_dma source(%dma_start3A_54 : memref<16x144xf32, #tpu.memory_space<vmem>>) target(%dma_start3A_51 : memref<16x144xf32, #tpu.memory_space<vmem_shared>>) target_semaphore(%run_scoped3A : memref<!tpu.dma_semaphore, #tpu.memory_space<semaphore_mem>>)
        %dma_wait3A = arith.constant 0 : i32
        %dma_wait3A_55 = arith.constant 0 : i32
        %dma_wait3A_56 = tpu.memref_slice %arg13[%dma_wait3A, %dma_wait3A_55] : memref<80x144xf32, #tpu.memory_space<vmem>> -> memref<16x144xf32, #tpu.memory_space<vmem>>
        %dma_wait3A_57 = arith.constant 5120 : i32
        %dma_wait3A_58 = arith.constant 0 : i32
        %dma_wait3A_59 = tpu.memref_slice %arg14[%dma_wait3A_57, %dma_wait3A_58] : memref<5136x144xf32, #tpu.memory_space<vmem_shared>> -> memref<16x144xf32, #tpu.memory_space<vmem_shared>>
        %dma_wait3A_60 = arith.constant 5120 : i32
        %dma_wait3A_61 = arith.constant 0 : i32
        %dma_wait3A_62 = tpu.memref_slice %arg14[%dma_wait3A_60, %dma_wait3A_61] : memref<5136x144xf32, #tpu.memory_space<vmem_shared>> -> memref<16x144xf32, #tpu.memory_space<vmem_shared>>
        %dma_wait3A_63 = arith.constant 0 : i32
        %dma_wait3A_64 = arith.constant 0 : i32
        %dma_wait3A_65 = tpu.memref_slice %arg13[%dma_wait3A_63, %dma_wait3A_64] : memref<80x144xf32, #tpu.memory_space<vmem>> -> memref<16x144xf32, #tpu.memory_space<vmem>>
        tpu.wait_dma2 semaphore(%run_scoped3A : memref<!tpu.dma_semaphore, #tpu.memory_space<semaphore_mem>>) src(%dma_wait3A_65 : memref<16x144xf32, #tpu.memory_space<vmem>>) dst(%dma_wait3A_62 : memref<16x144xf32, #tpu.memory_space<vmem_shared>>)
        tpu.yield
      }) : () -> ()
    } else {
    }
    %barrier3A = arith.constant 0 : index
    tpu.barrier barrier_id(%barrier3A)
    %iota3A = tpu.iota {dimensions = array<i32: 0>} : vector<16xi32>
    %mul3A_29 = arith.constant 5120 : i32
    %mul3A_30 = arith.muli %arg0, %mul3A_29 : i32
    %scan3A_31 = arith.constant 0 : i32
    %scan3A_32 = arith.constant 0 : i32
    %scan3A_33 = arith.constant 144 : i32
    %scan3A_34 = arith.addi %scan3A_32, %scan3A_33 : i32
    %scan3A_35 = arith.constant 1 : i32
    %scan3A_36 = scf.for %scan3A_44 = %scan3A_32 to %scan3A_34 step %scan3A_35 iter_args(%scan3A_45 = %scan3A_31) -> (i32)  : i32 {
      %jit3A = arith.constant 72 : i32
      %div3A = arith.divsi %scan3A_44, %jit3A : i32
      %sign3A = arith.constant 0 : i32
      %sign3A_46 = arith.cmpi sgt, %scan3A_44, %sign3A : i32
      %sign3A_47 = arith.extui %sign3A_46 : i1 to i32
      %sign3A_48 = arith.constant 0 : i32
      %sign3A_49 = arith.cmpi slt, %scan3A_44, %sign3A_48 : i32
      %sign3A_50 = arith.extui %sign3A_49 : i1 to i32
      %sign3A_51 = arith.subi %sign3A_47, %sign3A_50 : i32
      %sign3A_52 = arith.constant 0 : i32
      %sign3A_53 = arith.cmpi sgt, %jit3A, %sign3A_52 : i32
      %sign3A_54 = arith.extui %sign3A_53 : i1 to i32
      %sign3A_55 = arith.constant 0 : i32
      %sign3A_56 = arith.cmpi slt, %jit3A, %sign3A_55 : i32
      %sign3A_57 = arith.extui %sign3A_56 : i1 to i32
      %sign3A_58 = arith.subi %sign3A_54, %sign3A_57 : i32
      %ne3A = arith.cmpi ne, %sign3A_51, %sign3A_58 : i32
      %rem3A = arith.remsi %scan3A_44, %jit3A : i32
      %ne3A_59 = arith.constant 0 : i32
      %ne3A_60 = arith.cmpi ne, %rem3A, %ne3A_59 : i32
      %and3A = arith.andi %ne3A, %ne3A_60 : i1
      %sub3A = arith.constant 1 : i32
      %sub3A_61 = arith.subi %div3A, %sub3A : i32
      %select_n3A = arith.select %and3A, %sub3A_61, %div3A : i32
      %jit3A_62 = arith.constant 72 : i32
      %eq3A_63 = arith.constant 0 : i32
      %eq3A_64 = arith.cmpi eq, %jit3A_62, %eq3A_63 : i32
      %jit3A_65 = arith.constant 1 : i32
      %select_n3A_66 = arith.select %eq3A_64, %jit3A_65, %jit3A_62 : i32
      %rem3A_67 = arith.remsi %scan3A_44, %select_n3A_66 : i32
      %ne3A_68 = arith.constant 0 : i32
      %ne3A_69 = arith.cmpi ne, %rem3A_67, %ne3A_68 : i32
      %lt3A = arith.constant 0 : i32
      %lt3A_70 = arith.cmpi slt, %rem3A_67, %lt3A : i32
      %lt3A_71 = arith.constant 0 : i32
      %lt3A_72 = arith.cmpi slt, %select_n3A_66, %lt3A_71 : i32
      %ne3A_73 = arith.xori %lt3A_70, %lt3A_72 : i1
      %and3A_74 = arith.andi %ne3A_73, %ne3A_69 : i1
      %add3A_75 = arith.addi %rem3A_67, %select_n3A_66 : i32
      %select_n3A_76 = arith.select %and3A_74, %add3A_75, %rem3A_67 : i32
      %mul3A_77 = arith.constant 80 : i32
      %mul3A_78 = arith.muli %select_n3A_76, %mul3A_77 : i32
      %dma_start3A = tpu.memref_slice %arg8[%select_n3A, %mul3A_78] : memref<2x5760xi32, #tpu.memory_space<vmem>> -> memref<1x80xi32, #tpu.memory_space<vmem>>
      %dma_start3A_79 = tpu.memref_squeeze %dma_start3A : memref<1x80xi32, #tpu.memory_space<vmem>> -> memref<80xi32, #tpu.memory_space<vmem>>
      %dma_start3A_80 = arith.constant 0 : i32
      %dma_start3A_81 = arith.constant 0 : i32
      %dma_start3A_82 = tpu.memref_slice %arg2[%dma_start3A_80, %dma_start3A_81] : memref<10256x144xf32, #tpu.memory_space<hbm>> -> memref<10256x144xf32, #tpu.memory_space<hbm>>
      tpu.enqueue_indirect_dma source(%dma_start3A_82 : memref<10256x144xf32, #tpu.memory_space<hbm>>) target(%arg11 : memref<80x144xf32, #tpu.memory_space<vmem>>) offsets(%dma_start3A_79 : memref<80xi32, #tpu.memory_space<vmem>>) semaphore(%arg15 : memref<!tpu.dma_semaphore, #tpu.memory_space<semaphore_mem>>)
      %dma_start3A_83 = tpu.memref_slice %arg9[%select_n3A, %mul3A_78] : memref<2x5760xi32, #tpu.memory_space<vmem>> -> memref<1x80xi32, #tpu.memory_space<vmem>>
      %dma_start3A_84 = tpu.memref_squeeze %dma_start3A_83 : memref<1x80xi32, #tpu.memory_space<vmem>> -> memref<80xi32, #tpu.memory_space<vmem>>
      %dma_start3A_85 = arith.constant 0 : i32
      %dma_start3A_86 = arith.constant 0 : i32
      %dma_start3A_87 = tpu.memref_slice %arg2[%dma_start3A_85, %dma_start3A_86] : memref<10256x144xf32, #tpu.memory_space<hbm>> -> memref<10256x144xf32, #tpu.memory_space<hbm>>
      tpu.enqueue_indirect_dma source(%dma_start3A_87 : memref<10256x144xf32, #tpu.memory_space<hbm>>) target(%arg12 : memref<80x144xf32, #tpu.memory_space<vmem>>) offsets(%dma_start3A_84 : memref<80xi32, #tpu.memory_space<vmem>>) semaphore(%arg15 : memref<!tpu.dma_semaphore, #tpu.memory_space<semaphore_mem>>)
      %add3A_88 = arith.constant 0 : i32
      %add3A_89 = arith.addi %mul3A_78, %add3A_88 : i32
      %get3A = arith.index_cast %select_n3A : i32 to index
      %get3A_90 = arith.index_cast %add3A_89 : i32 to index
      %get3A_91 = tpu.vector_load %arg9[%get3A, %get3A_90] {strides = array<i32>} : memref<2x5760xi32, #tpu.memory_space<vmem>>, vector<16xi32>,
      %sub3A_92 = vector.broadcast %mul3A_30 : i32 to vector<16xi32>
      %sub3A_93 = arith.subi %get3A_91, %sub3A_92 : vector<16xi32>
      %swap3A = arith.constant 0 : index
      %swap3A_94 = tpu.vector_load %arg10[%swap3A] {strides = array<i32>} : memref<80xi32, #tpu.memory_space<vmem>>, vector<16xi32>,
      tpu.vector_store %arg10[%swap3A], %sub3A_93 {strides = array<i32>} : memref<80xi32, #tpu.memory_space<vmem>>, vector<16xi32>,
      %add3A_95 = arith.constant 16 : i32
      %add3A_96 = arith.addi %mul3A_78, %add3A_95 : i32
      %get3A_97 = arith.index_cast %select_n3A : i32 to index
      %get3A_98 = arith.index_cast %add3A_96 : i32 to index
      %get3A_99 = tpu.vector_load %arg9[%get3A_97, %get3A_98] {strides = array<i32>} : memref<2x5760xi32, #tpu.memory_space<vmem>>, vector<16xi32>,
      %sub3A_100 = vector.broadcast %mul3A_30 : i32 to vector<16xi32>
      %sub3A_101 = arith.subi %get3A_99, %sub3A_100 : vector<16xi32>
      %swap3A_102 = arith.constant 16 : index
      %swap3A_103 = tpu.vector_load %arg10[%swap3A_102] {strides = array<i32>} : memref<80xi32, #tpu.memory_space<vmem>>, vector<16xi32>,
      tpu.vector_store %arg10[%swap3A_102], %sub3A_101 {strides = array<i32>} : memref<80xi32, #tpu.memory_space<vmem>>, vector<16xi32>,
      %add3A_104 = arith.constant 32 : i32
      %add3A_105 = arith.addi %mul3A_78, %add3A_104 : i32
      %get3A_106 = arith.index_cast %select_n3A : i32 to index
      %get3A_107 = arith.index_cast %add3A_105 : i32 to index
      %get3A_108 = tpu.vector_load %arg9[%get3A_106, %get3A_107] {strides = array<i32>} : memref<2x5760xi32, #tpu.memory_space<vmem>>, vector<16xi32>,
      %sub3A_109 = vector.broadcast %mul3A_30 : i32 to vector<16xi32>
      %sub3A_110 = arith.subi %get3A_108, %sub3A_109 : vector<16xi32>
      %swap3A_111 = arith.constant 32 : index
      %swap3A_112 = tpu.vector_load %arg10[%swap3A_111] {strides = array<i32>} : memref<80xi32, #tpu.memory_space<vmem>>, vector<16xi32>,
      tpu.vector_store %arg10[%swap3A_111], %sub3A_110 {strides = array<i32>} : memref<80xi32, #tpu.memory_space<vmem>>, vector<16xi32>,
      %add3A_113 = arith.constant 48 : i32
      %add3A_114 = arith.addi %mul3A_78, %add3A_113 : i32
      %get3A_115 = arith.index_cast %select_n3A : i32 to index
      %get3A_116 = arith.index_cast %add3A_114 : i32 to index
      %get3A_117 = tpu.vector_load %arg9[%get3A_115, %get3A_116] {strides = array<i32>} : memref<2x5760xi32, #tpu.memory_space<vmem>>, vector<16xi32>,
      %sub3A_118 = vector.broadcast %mul3A_30 : i32 to vector<16xi32>
      %sub3A_119 = arith.subi %get3A_117, %sub3A_118 : vector<16xi32>
      %swap3A_120 = arith.constant 48 : index
      %swap3A_121 = tpu.vector_load %arg10[%swap3A_120] {strides = array<i32>} : memref<80xi32, #tpu.memory_space<vmem>>, vector<16xi32>,
      tpu.vector_store %arg10[%swap3A_120], %sub3A_119 {strides = array<i32>} : memref<80xi32, #tpu.memory_space<vmem>>, vector<16xi32>,
      %add3A_122 = arith.constant 64 : i32
      %add3A_123 = arith.addi %mul3A_78, %add3A_122 : i32
      %get3A_124 = arith.index_cast %select_n3A : i32 to index
      %get3A_125 = arith.index_cast %add3A_123 : i32 to index
      %get3A_126 = tpu.vector_load %arg9[%get3A_124, %get3A_125] {strides = array<i32>} : memref<2x5760xi32, #tpu.memory_space<vmem>>, vector<16xi32>,
      %sub3A_127 = vector.broadcast %mul3A_30 : i32 to vector<16xi32>
      %sub3A_128 = arith.subi %get3A_126, %sub3A_127 : vector<16xi32>
      %swap3A_129 = arith.constant 64 : index
      %swap3A_130 = tpu.vector_load %arg10[%swap3A_129] {strides = array<i32>} : memref<80xi32, #tpu.memory_space<vmem>>, vector<16xi32>,
      tpu.vector_store %arg10[%swap3A_129], %sub3A_128 {strides = array<i32>} : memref<80xi32, #tpu.memory_space<vmem>>, vector<16xi32>,
      %dma_wait3A = tpu.memref_slice %arg8[%select_n3A, %mul3A_78] : memref<2x5760xi32, #tpu.memory_space<vmem>> -> memref<1x80xi32, #tpu.memory_space<vmem>>
      %dma_wait3A_131 = tpu.memref_squeeze %dma_wait3A : memref<1x80xi32, #tpu.memory_space<vmem>> -> memref<80xi32, #tpu.memory_space<vmem>>
      %dma_wait3A_132 = arith.constant 0 : i32
      %dma_wait3A_133 = arith.constant 0 : i32
      %dma_wait3A_134 = tpu.memref_slice %arg2[%dma_wait3A_132, %dma_wait3A_133] : memref<10256x144xf32, #tpu.memory_space<hbm>> -> memref<10256x144xf32, #tpu.memory_space<hbm>>
      tpu.wait_indirect_dma semaphore(%arg15 : memref<!tpu.dma_semaphore, #tpu.memory_space<semaphore_mem>>) src(%dma_wait3A_134 : memref<10256x144xf32, #tpu.memory_space<hbm>>) dst(%arg11 : memref<80x144xf32, #tpu.memory_space<vmem>>)
      %dma_wait3A_135 = tpu.memref_slice %arg9[%select_n3A, %mul3A_78] : memref<2x5760xi32, #tpu.memory_space<vmem>> -> memref<1x80xi32, #tpu.memory_space<vmem>>
      %dma_wait3A_136 = tpu.memref_squeeze %dma_wait3A_135 : memref<1x80xi32, #tpu.memory_space<vmem>> -> memref<80xi32, #tpu.memory_space<vmem>>
      %dma_wait3A_137 = arith.constant 0 : i32
      %dma_wait3A_138 = arith.constant 0 : i32
      %dma_wait3A_139 = tpu.memref_slice %arg2[%dma_wait3A_137, %dma_wait3A_138] : memref<10256x144xf32, #tpu.memory_space<hbm>> -> memref<10256x144xf32, #tpu.memory_space<hbm>>
      tpu.wait_indirect_dma semaphore(%arg15 : memref<!tpu.dma_semaphore, #tpu.memory_space<semaphore_mem>>) src(%dma_wait3A_139 : memref<10256x144xf32, #tpu.memory_space<hbm>>) dst(%arg12 : memref<80x144xf32, #tpu.memory_space<vmem>>)
      %scan3A_140 = arith.constant 0 : i32
      %scan3A_141 = arith.constant 0 : i32
      %scan3A_142 = arith.constant 80 : i32
      %scan3A_143 = arith.addi %scan3A_141, %scan3A_142 : i32
      %scan3A_144 = arith.constant 1 : i32
      %scan3A_145 = scf.for %scan3A_148 = %scan3A_141 to %scan3A_143 step %scan3A_144 iter_args(%scan3A_149 = %scan3A_140) -> (i32)  : i32 {
        %get3A_150 = arith.index_cast %scan3A_148 : i32 to index
        %get3A_151 = arith.constant 0 : index
        %get3A_152 = tpu.vector_load %arg11[%get3A_150, %get3A_151] {strides = array<i32>} : memref<80x144xf32, #tpu.memory_space<vmem>>, vector<16xf32>,
        %get3A_153 = arith.index_cast %scan3A_148 : i32 to index
        %get3A_154 = arith.constant 0 : index
        %get3A_155 = tpu.vector_load %arg12[%get3A_153, %get3A_154] {strides = array<i32>} : memref<80x144xf32, #tpu.memory_space<vmem>>, vector<16xf32>,
        %mul3A_156 = arith.mulf %get3A_152, %get3A_155 : vector<16xf32>
        %get3A_157 = arith.index_cast %scan3A_148 : i32 to index
        %get3A_158 = arith.constant 16 : index
        %get3A_159 = tpu.vector_load %arg11[%get3A_157, %get3A_158] {strides = array<i32>} : memref<80x144xf32, #tpu.memory_space<vmem>>, vector<16xf32>,
        %get3A_160 = arith.index_cast %scan3A_148 : i32 to index
        %get3A_161 = arith.constant 16 : index
        %get3A_162 = tpu.vector_load %arg12[%get3A_160, %get3A_161] {strides = array<i32>} : memref<80x144xf32, #tpu.memory_space<vmem>>, vector<16xf32>,
        %mul3A_163 = arith.mulf %get3A_159, %get3A_162 : vector<16xf32>
        %add3A_164 = arith.addf %mul3A_156, %mul3A_163 : vector<16xf32>
        %get3A_165 = arith.index_cast %scan3A_148 : i32 to index
        %get3A_166 = arith.constant 32 : index
        %get3A_167 = tpu.vector_load %arg11[%get3A_165, %get3A_166] {strides = array<i32>} : memref<80x144xf32, #tpu.memory_space<vmem>>, vector<16xf32>,
        %get3A_168 = arith.index_cast %scan3A_148 : i32 to index
        %get3A_169 = arith.constant 32 : index
        %get3A_170 = tpu.vector_load %arg12[%get3A_168, %get3A_169] {strides = array<i32>} : memref<80x144xf32, #tpu.memory_space<vmem>>, vector<16xf32>,
        %mul3A_171 = arith.mulf %get3A_167, %get3A_170 : vector<16xf32>
        %add3A_172 = arith.addf %add3A_164, %mul3A_171 : vector<16xf32>
        %get3A_173 = arith.index_cast %scan3A_148 : i32 to index
        %get3A_174 = arith.constant 48 : index
        %get3A_175 = tpu.vector_load %arg11[%get3A_173, %get3A_174] {strides = array<i32>} : memref<80x144xf32, #tpu.memory_space<vmem>>, vector<16xf32>,
        %get3A_176 = arith.index_cast %scan3A_148 : i32 to index
        %get3A_177 = arith.constant 48 : index
        %get3A_178 = tpu.vector_load %arg12[%get3A_176, %get3A_177] {strides = array<i32>} : memref<80x144xf32, #tpu.memory_space<vmem>>, vector<16xf32>,
        %mul3A_179 = arith.mulf %get3A_175, %get3A_178 : vector<16xf32>
        %add3A_180 = arith.addf %add3A_172, %mul3A_179 : vector<16xf32>
        %get3A_181 = arith.index_cast %scan3A_148 : i32 to index
        %get3A_182 = arith.constant 64 : index
        %get3A_183 = tpu.vector_load %arg11[%get3A_181, %get3A_182] {strides = array<i32>} : memref<80x144xf32, #tpu.memory_space<vmem>>, vector<16xf32>,
        %get3A_184 = arith.index_cast %scan3A_148 : i32 to index
        %get3A_185 = arith.constant 64 : index
        %get3A_186 = tpu.vector_load %arg12[%get3A_184, %get3A_185] {strides = array<i32>} : memref<80x144xf32, #tpu.memory_space<vmem>>, vector<16xf32>,
        %mul3A_187 = arith.mulf %get3A_183, %get3A_186 : vector<16xf32>
        %add3A_188 = arith.addf %add3A_180, %mul3A_187 : vector<16xf32>
        %get3A_189 = arith.index_cast %scan3A_148 : i32 to index
        %get3A_190 = arith.constant 80 : index
        %get3A_191 = tpu.vector_load %arg11[%get3A_189, %get3A_190] {strides = array<i32>} : memref<80x144xf32, #tpu.memory_space<vmem>>, vector<16xf32>,
        %get3A_192 = arith.index_cast %scan3A_148 : i32 to index
        %get3A_193 = arith.constant 80 : index
        %get3A_194 = tpu.vector_load %arg12[%get3A_192, %get3A_193] {strides = array<i32>} : memref<80x144xf32, #tpu.memory_space<vmem>>, vector<16xf32>,
        %mul3A_195 = arith.mulf %get3A_191, %get3A_194 : vector<16xf32>
        %add3A_196 = arith.addf %add3A_188, %mul3A_195 : vector<16xf32>
        %get3A_197 = arith.index_cast %scan3A_148 : i32 to index
        %get3A_198 = arith.constant 96 : index
        %get3A_199 = tpu.vector_load %arg11[%get3A_197, %get3A_198] {strides = array<i32>} : memref<80x144xf32, #tpu.memory_space<vmem>>, vector<16xf32>,
        %get3A_200 = arith.index_cast %scan3A_148 : i32 to index
        %get3A_201 = arith.constant 96 : index
        %get3A_202 = tpu.vector_load %arg12[%get3A_200, %get3A_201] {strides = array<i32>} : memref<80x144xf32, #tpu.memory_space<vmem>>, vector<16xf32>,
        %mul3A_203 = arith.mulf %get3A_199, %get3A_202 : vector<16xf32>
        %add3A_204 = arith.addf %add3A_196, %mul3A_203 : vector<16xf32>
        %get3A_205 = arith.index_cast %scan3A_148 : i32 to index
        %get3A_206 = arith.constant 112 : index
        %get3A_207 = tpu.vector_load %arg11[%get3A_205, %get3A_206] {strides = array<i32>} : memref<80x144xf32, #tpu.memory_space<vmem>>, vector<16xf32>,
        %get3A_208 = arith.index_cast %scan3A_148 : i32 to index
        %get3A_209 = arith.constant 112 : index
        %get3A_210 = tpu.vector_load %arg12[%get3A_208, %get3A_209] {strides = array<i32>} : memref<80x144xf32, #tpu.memory_space<vmem>>, vector<16xf32>,
        %mul3A_211 = arith.mulf %get3A_207, %get3A_210 : vector<16xf32>
        %add3A_212 = arith.addf %add3A_204, %mul3A_211 : vector<16xf32>
        %reduce_sum3A = arith.constant true
        %reduce_sum3A_213 = vector.broadcast %reduce_sum3A : i1 to vector<16xi1>
        %reduce_sum3A_214 = tpu.scan <sum>, %add3A_212 masked %reduce_sum3A_213 : vector<16xf32>, vector<16xi1> -> vector<16xf32>
        %reduce_sum3A_215 = vector.extract %reduce_sum3A_214[15] : f32 from vector<16xf32>
        %get3A_216 = arith.index_cast %scan3A_148 : i32 to index
        %get3A_217 = arith.constant 128 : index
        %get3A_218 = tpu.vector_load %arg11[%get3A_216, %get3A_217] {strides = array<i32>} : memref<80x144xf32, #tpu.memory_space<vmem>>, vector<16xf32>,
        %get3A_219 = arith.index_cast %scan3A_148 : i32 to index
        %get3A_220 = arith.constant 128 : index
        %get3A_221 = tpu.vector_load %arg12[%get3A_219, %get3A_220] {strides = array<i32>} : memref<80x144xf32, #tpu.memory_space<vmem>>, vector<16xf32>,
        %slice3A = vector.extract_strided_slice %get3A_218 {offsets = [0], sizes = [1], strides = [1]} : vector<16xf32> to vector<1xf32>
        %squeeze3A = vector.extract %slice3A[0] : f32 from vector<1xf32>
        %mul3A_222 = arith.mulf %reduce_sum3A_215, %squeeze3A : f32
        %slice3A_223 = vector.extract_strided_slice %get3A_221 {offsets = [1], sizes = [1], strides = [1]} : vector<16xf32> to vector<1xf32>
        %squeeze3A_224 = vector.extract %slice3A_223[0] : f32 from vector<1xf32>
        %mul3A_225 = arith.mulf %mul3A_222, %squeeze3A_224 : f32
        %broadcast_in_dim3A_226 = vector.broadcast %mul3A_225 : f32 to vector<16xf32>
        %exp3A = math.exp %broadcast_in_dim3A_226 : vector<16xf32>
        %mul3A_227 = arith.mulf %get3A_152, %exp3A : vector<16xf32>
        %swap3A_228 = arith.index_cast %scan3A_148 : i32 to index
        %swap3A_229 = arith.constant 0 : index
        %swap3A_230 = tpu.vector_load %arg13[%swap3A_228, %swap3A_229] {strides = array<i32>} : memref<80x144xf32, #tpu.memory_space<vmem>>, vector<16xf32>,
        tpu.vector_store %arg13[%swap3A_228, %swap3A_229], %mul3A_227 {strides = array<i32>} : memref<80x144xf32, #tpu.memory_space<vmem>>, vector<16xf32>,
        %mul3A_231 = arith.mulf %get3A_159, %exp3A : vector<16xf32>
        %swap3A_232 = arith.index_cast %scan3A_148 : i32 to index
        %swap3A_233 = arith.constant 16 : index
        %swap3A_234 = tpu.vector_load %arg13[%swap3A_232, %swap3A_233] {strides = array<i32>} : memref<80x144xf32, #tpu.memory_space<vmem>>, vector<16xf32>,
        tpu.vector_store %arg13[%swap3A_232, %swap3A_233], %mul3A_231 {strides = array<i32>} : memref<80x144xf32, #tpu.memory_space<vmem>>, vector<16xf32>,
        %mul3A_235 = arith.mulf %get3A_167, %exp3A : vector<16xf32>
        %swap3A_236 = arith.index_cast %scan3A_148 : i32 to index
        %swap3A_237 = arith.constant 32 : index
        %swap3A_238 = tpu.vector_load %arg13[%swap3A_236, %swap3A_237] {strides = array<i32>} : memref<80x144xf32, #tpu.memory_space<vmem>>, vector<16xf32>,
        tpu.vector_store %arg13[%swap3A_236, %swap3A_237], %mul3A_235 {strides = array<i32>} : memref<80x144xf32, #tpu.memory_space<vmem>>, vector<16xf32>,
        %mul3A_239 = arith.mulf %get3A_175, %exp3A : vector<16xf32>
        %swap3A_240 = arith.index_cast %scan3A_148 : i32 to index
        %swap3A_241 = arith.constant 48 : index
        %swap3A_242 = tpu.vector_load %arg13[%swap3A_240, %swap3A_241] {strides = array<i32>} : memref<80x144xf32, #tpu.memory_space<vmem>>, vector<16xf32>,
        tpu.vector_store %arg13[%swap3A_240, %swap3A_241], %mul3A_239 {strides = array<i32>} : memref<80x144xf32, #tpu.memory_space<vmem>>, vector<16xf32>,
        %mul3A_243 = arith.mulf %get3A_183, %exp3A : vector<16xf32>
        %swap3A_244 = arith.index_cast %scan3A_148 : i32 to index
        %swap3A_245 = arith.constant 64 : index
        %swap3A_246 = tpu.vector_load %arg13[%swap3A_244, %swap3A_245] {strides = array<i32>} : memref<80x144xf32, #tpu.memory_space<vmem>>, vector<16xf32>,
        tpu.vector_store %arg13[%swap3A_244, %swap3A_245], %mul3A_243 {strides = array<i32>} : memref<80x144xf32, #tpu.memory_space<vmem>>, vector<16xf32>,
        %mul3A_247 = arith.mulf %get3A_191, %exp3A : vector<16xf32>
        %swap3A_248 = arith.index_cast %scan3A_148 : i32 to index
        %swap3A_249 = arith.constant 80 : index
        %swap3A_250 = tpu.vector_load %arg13[%swap3A_248, %swap3A_249] {strides = array<i32>} : memref<80x144xf32, #tpu.memory_space<vmem>>, vector<16xf32>,
        tpu.vector_store %arg13[%swap3A_248, %swap3A_249], %mul3A_247 {strides = array<i32>} : memref<80x144xf32, #tpu.memory_space<vmem>>, vector<16xf32>,
        %mul3A_251 = arith.mulf %get3A_199, %exp3A : vector<16xf32>
        %swap3A_252 = arith.index_cast %scan3A_148 : i32 to index
        %swap3A_253 = arith.constant 96 : index
        %swap3A_254 = tpu.vector_load %arg13[%swap3A_252, %swap3A_253] {strides = array<i32>} : memref<80x144xf32, #tpu.memory_space<vmem>>, vector<16xf32>,
        tpu.vector_store %arg13[%swap3A_252, %swap3A_253], %mul3A_251 {strides = array<i32>} : memref<80x144xf32, #tpu.memory_space<vmem>>, vector<16xf32>,
        %mul3A_255 = arith.mulf %get3A_207, %exp3A : vector<16xf32>
        %swap3A_256 = arith.index_cast %scan3A_148 : i32 to index
        %swap3A_257 = arith.constant 112 : index
        %swap3A_258 = tpu.vector_load %arg13[%swap3A_256, %swap3A_257] {strides = array<i32>} : memref<80x144xf32, #tpu.memory_space<vmem>>, vector<16xf32>,
        tpu.vector_store %arg13[%swap3A_256, %swap3A_257], %mul3A_255 {strides = array<i32>} : memref<80x144xf32, #tpu.memory_space<vmem>>, vector<16xf32>,
        %eq3A_259 = arith.constant 0 : i32
        %eq3A_260 = vector.broadcast %eq3A_259 : i32 to vector<16xi32>
        %eq3A_261 = arith.cmpi eq, %iota3A, %eq3A_260 : vector<16xi32>
        %jit3A_262 = arith.constant 0.000000e+00 : f32
        %broadcast_in_dim3A_263 = vector.broadcast %jit3A_262 : f32 to vector<16xf32>
        %select_n3A_264 = arith.select %eq3A_261, %exp3A, %broadcast_in_dim3A_263 : vector<16xi1>, vector<16xf32>
        %swap3A_265 = arith.index_cast %scan3A_148 : i32 to index
        %swap3A_266 = arith.constant 128 : index
        %swap3A_267 = tpu.vector_load %arg13[%swap3A_265, %swap3A_266] {strides = array<i32>} : memref<80x144xf32, #tpu.memory_space<vmem>>, vector<16xf32>,
        tpu.vector_store %arg13[%swap3A_265, %swap3A_266], %select_n3A_264 {strides = array<i32>} : memref<80x144xf32, #tpu.memory_space<vmem>>, vector<16xf32>,
        %scan3A_268 = arith.constant 0 : i32
        scf.yield %scan3A_268 : i32
      }
      %scan3A_146 = arith.constant 80 : i32
      "tpu.region"() ({
        %run_scoped3A = tpu.sem_alloc : memref<!tpu.dma_semaphore, #tpu.memory_space<semaphore_mem>>
        %dma_start3A_148 = arith.constant 0 : i32
        %dma_start3A_149 = arith.constant 0 : i32
        %dma_start3A_150 = tpu.memref_slice %arg14[%dma_start3A_148, %dma_start3A_149] : memref<5136x144xf32, #tpu.memory_space<vmem_shared>> -> memref<5136x144xf32, #tpu.memory_space<vmem_shared>>
        tpu.enqueue_indirect_dma source(%arg13 : memref<80x144xf32, #tpu.memory_space<vmem>>) target(%dma_start3A_150 : memref<5136x144xf32, #tpu.memory_space<vmem_shared>>) offsets(%arg10 : memref<80xi32, #tpu.memory_space<vmem>>) semaphore(%run_scoped3A : memref<!tpu.dma_semaphore, #tpu.memory_space<semaphore_mem>>) {add = true}
        %dma_wait3A_151 = arith.constant 0 : i32
        %dma_wait3A_152 = arith.constant 0 : i32
        %dma_wait3A_153 = tpu.memref_slice %arg14[%dma_wait3A_151, %dma_wait3A_152] : memref<5136x144xf32, #tpu.memory_space<vmem_shared>> -> memref<5136x144xf32, #tpu.memory_space<vmem_shared>>
        tpu.wait_indirect_dma semaphore(%run_scoped3A : memref<!tpu.dma_semaphore, #tpu.memory_space<semaphore_mem>>) src(%arg13 : memref<80x144xf32, #tpu.memory_space<vmem>>) dst(%dma_wait3A_153 : memref<5136x144xf32, #tpu.memory_space<vmem_shared>>)
        tpu.yield
      }) : () -> ()
      %scan3A_147 = arith.constant 0 : i32
      scf.yield %scan3A_147 : i32
    }
    %scan3A_37 = arith.constant 144 : i32
    %barrier3A_38 = arith.constant 0 : index
    tpu.barrier barrier_id(%barrier3A_38)
    "tpu.region"() ({
      %run_scoped3A = tpu.sem_alloc : memref<!tpu.dma_semaphore, #tpu.memory_space<semaphore_mem>>
      %dma_start3A = arith.constant 0 : i32
      %dma_start3A_44 = tpu.memref_slice %arg7[%arg0, %mul3A_16, %dma_start3A] : memref<2x5136x144xf32, #tpu.memory_space<hbm>> -> memref<1x320x144xf32, #tpu.memory_space<hbm>>
      %dma_start3A_45 = tpu.memref_squeeze %dma_start3A_44 : memref<1x320x144xf32, #tpu.memory_space<hbm>> -> memref<320x144xf32, #tpu.memory_space<hbm>>
      %dma_start3A_46 = arith.constant 0 : i32
      %dma_start3A_47 = tpu.memref_slice %arg14[%mul3A_16, %dma_start3A_46] : memref<5136x144xf32, #tpu.memory_space<vmem_shared>> -> memref<320x144xf32, #tpu.memory_space<vmem_shared>>
      tpu.enqueue_dma source(%dma_start3A_47 : memref<320x144xf32, #tpu.memory_space<vmem_shared>>) target(%dma_start3A_45 : memref<320x144xf32, #tpu.memory_space<hbm>>) target_semaphore(%run_scoped3A : memref<!tpu.dma_semaphore, #tpu.memory_space<semaphore_mem>>)
      %dma_wait3A = arith.constant 0 : i32
      %dma_wait3A_48 = tpu.memref_slice %arg7[%arg0, %mul3A_16, %dma_wait3A] : memref<2x5136x144xf32, #tpu.memory_space<hbm>> -> memref<1x320x144xf32, #tpu.memory_space<hbm>>
      %dma_wait3A_49 = tpu.memref_squeeze %dma_wait3A_48 : memref<1x320x144xf32, #tpu.memory_space<hbm>> -> memref<320x144xf32, #tpu.memory_space<hbm>>
      %dma_wait3A_50 = arith.constant 0 : i32
      %dma_wait3A_51 = tpu.memref_slice %arg14[%mul3A_16, %dma_wait3A_50] : memref<5136x144xf32, #tpu.memory_space<vmem_shared>> -> memref<320x144xf32, #tpu.memory_space<vmem_shared>>
      tpu.wait_dma2 semaphore(%run_scoped3A : memref<!tpu.dma_semaphore, #tpu.memory_space<semaphore_mem>>) src(%dma_wait3A_51 : memref<320x144xf32, #tpu.memory_space<vmem_shared>>) dst(%dma_wait3A_49 : memref<320x144xf32, #tpu.memory_space<hbm>>)
      tpu.yield
    }) : () -> ()
    %eq3A_39 = arith.constant 15 : i32
    %eq3A_40 = arith.cmpi eq, %arg1, %eq3A_39 : i32
    %convert_element_type3A_41 = arith.extui %eq3A_40 : i1 to i32
    %cond3A_42 = arith.constant 0 : i32
    %cond3A_43 = arith.cmpi ne, %convert_element_type3A_41, %cond3A_42 : i32
    scf.if %cond3A_43 {
      "tpu.region"() ({
        %run_scoped3A = tpu.sem_alloc : memref<!tpu.dma_semaphore, #tpu.memory_space<semaphore_mem>>
        %dma_start3A = arith.constant 5120 : i32
        %dma_start3A_44 = arith.constant 0 : i32
        %dma_start3A_45 = tpu.memref_slice %arg7[%arg0, %dma_start3A, %dma_start3A_44] : memref<2x5136x144xf32, #tpu.memory_space<hbm>> -> memref<1x16x144xf32, #tpu.memory_space<hbm>>
        %dma_start3A_46 = tpu.memref_squeeze %dma_start3A_45 : memref<1x16x144xf32, #tpu.memory_space<hbm>> -> memref<16x144xf32, #tpu.memory_space<hbm>>
        %dma_start3A_47 = arith.constant 5120 : i32
        %dma_start3A_48 = arith.constant 0 : i32
        %dma_start3A_49 = tpu.memref_slice %arg14[%dma_start3A_47, %dma_start3A_48] : memref<5136x144xf32, #tpu.memory_space<vmem_shared>> -> memref<16x144xf32, #tpu.memory_space<vmem_shared>>
        tpu.enqueue_dma source(%dma_start3A_49 : memref<16x144xf32, #tpu.memory_space<vmem_shared>>) target(%dma_start3A_46 : memref<16x144xf32, #tpu.memory_space<hbm>>) target_semaphore(%run_scoped3A : memref<!tpu.dma_semaphore, #tpu.memory_space<semaphore_mem>>)
        %dma_wait3A = arith.constant 5120 : i32
        %dma_wait3A_50 = arith.constant 0 : i32
        %dma_wait3A_51 = tpu.memref_slice %arg7[%arg0, %dma_wait3A, %dma_wait3A_50] : memref<2x5136x144xf32, #tpu.memory_space<hbm>> -> memref<1x16x144xf32, #tpu.memory_space<hbm>>
        %dma_wait3A_52 = tpu.memref_squeeze %dma_wait3A_51 : memref<1x16x144xf32, #tpu.memory_space<hbm>> -> memref<16x144xf32, #tpu.memory_space<hbm>>
        %dma_wait3A_53 = arith.constant 5120 : i32
        %dma_wait3A_54 = arith.constant 0 : i32
        %dma_wait3A_55 = tpu.memref_slice %arg14[%dma_wait3A_53, %dma_wait3A_54] : memref<5136x144xf32, #tpu.memory_space<vmem_shared>> -> memref<16x144xf32, #tpu.memory_space<vmem_shared>>
        tpu.wait_dma2 semaphore(%run_scoped3A : memref<!tpu.dma_semaphore, #tpu.memory_space<semaphore_mem>>) src(%dma_wait3A_55 : memref<16x144xf32, #tpu.memory_space<vmem_shared>>) dst(%dma_wait3A_52 : memref<16x144xf32, #tpu.memory_space<hbm>>)
        tpu.yield
      }) : () -> ()
    } else {
    }
    return
  }
}

#map = affine_map<(d0, d1) -> (0, 0)>
module attributes {stable_mosaic.version = 14 : i64} {
  func.func @_route_body(%arg0: i32, %arg1: i32, %arg2: memref<32x10000xi32, #tpu.memory_space<hbm>>, %arg3: memref<32x10000xi32, #tpu.memory_space<hbm>>, %arg4: memref<32x5760xi32, #tpu.memory_space<hbm>>, %arg5: memref<32x5760xi32, #tpu.memory_space<hbm>>, %arg6: memref<32x5760xi32, #tpu.memory_space<hbm>>, %arg7: memref<32x5760xi32, #tpu.memory_space<hbm>>, %arg8: memref<10000xi32, #tpu.memory_space<vmem>>, %arg9: memref<10000xi32, #tpu.memory_space<vmem>>, %arg10: memref<5776xi32, #tpu.memory_space<vmem>>, %arg11: memref<5776xi32, #tpu.memory_space<vmem>>, %arg12: memref<5776xi32, #tpu.memory_space<vmem>>, %arg13: memref<5776xi32, #tpu.memory_space<vmem>>) attributes {dimension_semantics = [#tpu.dimension_semantics<core_parallel>, #tpu.dimension_semantics<subcore_parallel>], iteration_bounds = array<i64: 2, 16>, scalar_prefetch = 0 : i64, scratch_operands = 6 : i64, tpu.core_type = #tpu.core_type<sc_vector_subcore>, window_params = [{transform_indices = #map}, {transform_indices = #map}, {transform_indices = #map}, {transform_indices = #map}, {transform_indices = #map}, {transform_indices = #map}]} {
    %mul3A = arith.constant 2 : i32
    %mul3A_0 = arith.muli %arg1, %mul3A : i32
    %add3A = arith.addi %mul3A_0, %arg0 : i32
    "tpu.region"() ({
      %run_scoped3A = tpu.sem_alloc : memref<!tpu.dma_semaphore, #tpu.memory_space<semaphore_mem>>
      %dma_start3A = arith.constant 0 : i32
      %dma_start3A_20 = tpu.memref_slice %arg2[%add3A, %dma_start3A] : memref<32x10000xi32, #tpu.memory_space<hbm>> -> memref<1x10000xi32, #tpu.memory_space<hbm>>
      %dma_start3A_21 = tpu.memref_squeeze %dma_start3A_20 : memref<1x10000xi32, #tpu.memory_space<hbm>> -> memref<10000xi32, #tpu.memory_space<hbm>>
      %dma_start3A_22 = arith.constant 0 : i32
      %dma_start3A_23 = tpu.memref_slice %arg2[%add3A, %dma_start3A_22] : memref<32x10000xi32, #tpu.memory_space<hbm>> -> memref<1x10000xi32, #tpu.memory_space<hbm>>
      %dma_start3A_24 = tpu.memref_squeeze %dma_start3A_23 : memref<1x10000xi32, #tpu.memory_space<hbm>> -> memref<10000xi32, #tpu.memory_space<hbm>>
      tpu.enqueue_dma source(%dma_start3A_24 : memref<10000xi32, #tpu.memory_space<hbm>>) target(%arg8 : memref<10000xi32, #tpu.memory_space<vmem>>) target_semaphore(%run_scoped3A : memref<!tpu.dma_semaphore, #tpu.memory_space<semaphore_mem>>)
      %dma_wait3A = arith.constant 0 : i32
      %dma_wait3A_25 = tpu.memref_slice %arg2[%add3A, %dma_wait3A] : memref<32x10000xi32, #tpu.memory_space<hbm>> -> memref<1x10000xi32, #tpu.memory_space<hbm>>
      %dma_wait3A_26 = tpu.memref_squeeze %dma_wait3A_25 : memref<1x10000xi32, #tpu.memory_space<hbm>> -> memref<10000xi32, #tpu.memory_space<hbm>>
      %dma_wait3A_27 = arith.constant 0 : i32
      %dma_wait3A_28 = tpu.memref_slice %arg2[%add3A, %dma_wait3A_27] : memref<32x10000xi32, #tpu.memory_space<hbm>> -> memref<1x10000xi32, #tpu.memory_space<hbm>>
      %dma_wait3A_29 = tpu.memref_squeeze %dma_wait3A_28 : memref<1x10000xi32, #tpu.memory_space<hbm>> -> memref<10000xi32, #tpu.memory_space<hbm>>
      tpu.wait_dma2 semaphore(%run_scoped3A : memref<!tpu.dma_semaphore, #tpu.memory_space<semaphore_mem>>) src(%dma_wait3A_29 : memref<10000xi32, #tpu.memory_space<hbm>>) dst(%arg8 : memref<10000xi32, #tpu.memory_space<vmem>>)
      tpu.yield
    }) : () -> ()
    "tpu.region"() ({
      %run_scoped3A = tpu.sem_alloc : memref<!tpu.dma_semaphore, #tpu.memory_space<semaphore_mem>>
      %dma_start3A = arith.constant 0 : i32
      %dma_start3A_20 = tpu.memref_slice %arg3[%add3A, %dma_start3A] : memref<32x10000xi32, #tpu.memory_space<hbm>> -> memref<1x10000xi32, #tpu.memory_space<hbm>>
      %dma_start3A_21 = tpu.memref_squeeze %dma_start3A_20 : memref<1x10000xi32, #tpu.memory_space<hbm>> -> memref<10000xi32, #tpu.memory_space<hbm>>
      %dma_start3A_22 = arith.constant 0 : i32
      %dma_start3A_23 = tpu.memref_slice %arg3[%add3A, %dma_start3A_22] : memref<32x10000xi32, #tpu.memory_space<hbm>> -> memref<1x10000xi32, #tpu.memory_space<hbm>>
      %dma_start3A_24 = tpu.memref_squeeze %dma_start3A_23 : memref<1x10000xi32, #tpu.memory_space<hbm>> -> memref<10000xi32, #tpu.memory_space<hbm>>
      tpu.enqueue_dma source(%dma_start3A_24 : memref<10000xi32, #tpu.memory_space<hbm>>) target(%arg9 : memref<10000xi32, #tpu.memory_space<vmem>>) target_semaphore(%run_scoped3A : memref<!tpu.dma_semaphore, #tpu.memory_space<semaphore_mem>>)
      %dma_wait3A = arith.constant 0 : i32
      %dma_wait3A_25 = tpu.memref_slice %arg3[%add3A, %dma_wait3A] : memref<32x10000xi32, #tpu.memory_space<hbm>> -> memref<1x10000xi32, #tpu.memory_space<hbm>>
      %dma_wait3A_26 = tpu.memref_squeeze %dma_wait3A_25 : memref<1x10000xi32, #tpu.memory_space<hbm>> -> memref<10000xi32, #tpu.memory_space<hbm>>
      %dma_wait3A_27 = arith.constant 0 : i32
      %dma_wait3A_28 = tpu.memref_slice %arg3[%add3A, %dma_wait3A_27] : memref<32x10000xi32, #tpu.memory_space<hbm>> -> memref<1x10000xi32, #tpu.memory_space<hbm>>
      %dma_wait3A_29 = tpu.memref_squeeze %dma_wait3A_28 : memref<1x10000xi32, #tpu.memory_space<hbm>> -> memref<10000xi32, #tpu.memory_space<hbm>>
      tpu.wait_dma2 semaphore(%run_scoped3A : memref<!tpu.dma_semaphore, #tpu.memory_space<semaphore_mem>>) src(%dma_wait3A_29 : memref<10000xi32, #tpu.memory_space<hbm>>) dst(%arg9 : memref<10000xi32, #tpu.memory_space<vmem>>)
      tpu.yield
    }) : () -> ()
    %broadcast_in_dim3A = arith.constant 0 : i32
    %broadcast_in_dim3A_1 = vector.broadcast %broadcast_in_dim3A : i32 to vector<16xi32>
    %broadcast_in_dim3A_2 = arith.constant 5127 : i32
    %broadcast_in_dim3A_3 = vector.broadcast %broadcast_in_dim3A_2 : i32 to vector<16xi32>
    %broadcast_in_dim3A_4 = arith.constant 10255 : i32
    %broadcast_in_dim3A_5 = vector.broadcast %broadcast_in_dim3A_4 : i32 to vector<16xi32>
    %scan3A = arith.constant 0 : i32
    %scan3A_6 = arith.constant 0 : i32
    %scan3A_7 = arith.constant 361 : i32
    %scan3A_8 = arith.addi %scan3A_6, %scan3A_7 : i32
    %scan3A_9 = arith.constant 1 : i32
    %scan3A_10 = scf.for %scan3A_20 = %scan3A_6 to %scan3A_8 step %scan3A_9 iter_args(%scan3A_21 = %scan3A) -> (i32)  : i32 {
      %mul3A_22 = arith.constant 16 : i32
      %mul3A_23 = arith.muli %mul3A_22, %scan3A_20 : i32
      %swap3A = arith.index_cast %mul3A_23 : i32 to index
      %swap3A_24 = tpu.vector_load %arg10[%swap3A] {strides = array<i32>} : memref<5776xi32, #tpu.memory_space<vmem>>, vector<16xi32>,
      tpu.vector_store %arg10[%swap3A], %broadcast_in_dim3A_1 {strides = array<i32>} : memref<5776xi32, #tpu.memory_space<vmem>>, vector<16xi32>,
      %swap3A_25 = arith.index_cast %mul3A_23 : i32 to index
      %swap3A_26 = tpu.vector_load %arg11[%swap3A_25] {strides = array<i32>} : memref<5776xi32, #tpu.memory_space<vmem>>, vector<16xi32>,
      tpu.vector_store %arg11[%swap3A_25], %broadcast_in_dim3A_3 {strides = array<i32>} : memref<5776xi32, #tpu.memory_space<vmem>>, vector<16xi32>,
      %swap3A_27 = arith.index_cast %mul3A_23 : i32 to index
      %swap3A_28 = tpu.vector_load %arg12[%swap3A_27] {strides = array<i32>} : memref<5776xi32, #tpu.memory_space<vmem>>, vector<16xi32>,
      tpu.vector_store %arg12[%swap3A_27], %broadcast_in_dim3A_1 {strides = array<i32>} : memref<5776xi32, #tpu.memory_space<vmem>>, vector<16xi32>,
      %swap3A_29 = arith.index_cast %mul3A_23 : i32 to index
      %swap3A_30 = tpu.vector_load %arg13[%swap3A_29] {strides = array<i32>} : memref<5776xi32, #tpu.memory_space<vmem>>, vector<16xi32>,
      tpu.vector_store %arg13[%swap3A_29], %broadcast_in_dim3A_5 {strides = array<i32>} : memref<5776xi32, #tpu.memory_space<vmem>>, vector<16xi32>,
      %scan3A_31 = arith.constant 0 : i32
      scf.yield %scan3A_31 : i32
    }
    %scan3A_11 = arith.constant 361 : i32
    %scan3A_12 = arith.constant 0 : i32
    %scan3A_13 = arith.constant 0 : i32
    %scan3A_14 = arith.constant 0 : i32
    %scan3A_15 = arith.constant 625 : i32
    %scan3A_16 = arith.addi %scan3A_14, %scan3A_15 : i32
    %scan3A_17 = arith.constant 1 : i32
    %scan3A_18:2 = scf.for %scan3A_20 = %scan3A_14 to %scan3A_16 step %scan3A_17 iter_args(%scan3A_21 = %scan3A_12, %scan3A_22 = %scan3A_13) -> (i32, i32)  : i32 {
      %mul3A_23 = arith.constant 16 : i32
      %mul3A_24 = arith.muli %mul3A_23, %scan3A_20 : i32
      %get3A = arith.index_cast %mul3A_24 : i32 to index
      %get3A_25 = tpu.vector_load %arg8[%get3A] {strides = array<i32>} : memref<10000xi32, #tpu.memory_space<vmem>>, vector<16xi32>,
      %get3A_26 = arith.index_cast %mul3A_24 : i32 to index
      %get3A_27 = tpu.vector_load %arg9[%get3A_26] {strides = array<i32>} : memref<10000xi32, #tpu.memory_space<vmem>>, vector<16xi32>,
      %lt3A = arith.constant 5120 : i32
      %lt3A_28 = vector.broadcast %lt3A : i32 to vector<16xi32>
      %lt3A_29 = arith.cmpi slt, %get3A_27, %lt3A_28 : vector<16xi32>
      %ge3A = arith.constant 5120 : i32
      %ge3A_30 = vector.broadcast %ge3A : i32 to vector<16xi32>
      %ge3A_31 = arith.cmpi sge, %get3A_27, %ge3A_30 : vector<16xi32>
      %all_reduce_population_count3A = tpu.all_reduce %lt3A_29 {dim = 0 : i64, kind = #tpu.reduction_kind<sum>} : vector<16xi1> -> vector<16xi32>
      %slice3A = vector.extract_strided_slice %all_reduce_population_count3A {offsets = [0], sizes = [1], strides = [1]} : vector<16xi32> to vector<1xi32>
      %squeeze3A = vector.extract %slice3A[0] : i32 from vector<1xi32>
      %le3A = arith.constant 5760 : i32
      %le3A_32 = arith.cmpi sle, %scan3A_21, %le3A : i32
      %convert_element_type3A = arith.extui %le3A_32 : i1 to i32
      %cond3A = arith.constant 0 : i32
      %cond3A_33 = arith.cmpi ne, %convert_element_type3A, %cond3A : i32
      scf.if %cond3A_33 {
        %swap3A = arith.index_cast %scan3A_21 : i32 to index
        %swap3A_42 = tpu.vector_load %arg10[%swap3A] masked %lt3A_29 {strides = array<i32>} : memref<5776xi32, #tpu.memory_space<vmem>>, vector<16xi32>, vector<16xi1>
        tpu.vector_store %arg10[%swap3A], %get3A_25 masked %lt3A_29 {strides = array<i32>} : memref<5776xi32, #tpu.memory_space<vmem>>, vector<16xi32>, vector<16xi1>
        %swap3A_43 = arith.index_cast %scan3A_21 : i32 to index
        %swap3A_44 = tpu.vector_load %arg11[%swap3A_43] masked %lt3A_29 {strides = array<i32>} : memref<5776xi32, #tpu.memory_space<vmem>>, vector<16xi32>, vector<16xi1>
        tpu.vector_store %arg11[%swap3A_43], %get3A_27 masked %lt3A_29 {strides = array<i32>} : memref<5776xi32, #tpu.memory_space<vmem>>, vector<16xi32>, vector<16xi1>
      } else {
      }
      %le3A_34 = arith.constant 5760 : i32
      %le3A_35 = arith.cmpi sle, %scan3A_22, %le3A_34 : i32
      %convert_element_type3A_36 = arith.extui %le3A_35 : i1 to i32
      %cond3A_37 = arith.constant 0 : i32
      %cond3A_38 = arith.cmpi ne, %convert_element_type3A_36, %cond3A_37 : i32
      scf.if %cond3A_38 {
        %swap3A = arith.index_cast %scan3A_22 : i32 to index
        %swap3A_42 = tpu.vector_load %arg12[%swap3A] masked %ge3A_31 {strides = array<i32>} : memref<5776xi32, #tpu.memory_space<vmem>>, vector<16xi32>, vector<16xi1>
        tpu.vector_store %arg12[%swap3A], %get3A_25 masked %ge3A_31 {strides = array<i32>} : memref<5776xi32, #tpu.memory_space<vmem>>, vector<16xi32>, vector<16xi1>
        %swap3A_43 = arith.index_cast %scan3A_22 : i32 to index
        %swap3A_44 = tpu.vector_load %arg13[%swap3A_43] masked %ge3A_31 {strides = array<i32>} : memref<5776xi32, #tpu.memory_space<vmem>>, vector<16xi32>, vector<16xi1>
        tpu.vector_store %arg13[%swap3A_43], %get3A_27 masked %ge3A_31 {strides = array<i32>} : memref<5776xi32, #tpu.memory_space<vmem>>, vector<16xi32>, vector<16xi1>
      } else {
      }
      %add3A_39 = arith.addi %scan3A_21, %squeeze3A : i32
      %sub3A = arith.constant 16 : i32
      %sub3A_40 = arith.subi %sub3A, %squeeze3A : i32
      %add3A_41 = arith.addi %scan3A_22, %sub3A_40 : i32
      scf.yield %add3A_39, %add3A_41 : i32, i32
    }
    %scan3A_19 = arith.constant 625 : i32
    "tpu.region"() ({
      %run_scoped3A = tpu.sem_alloc : memref<!tpu.dma_semaphore, #tpu.memory_space<semaphore_mem>>
      %dma_start3A = arith.constant 0 : i32
      %dma_start3A_20 = tpu.memref_slice %arg10[%dma_start3A] : memref<5776xi32, #tpu.memory_space<vmem>> -> memref<5760xi32, #tpu.memory_space<vmem>>
      %dma_start3A_21 = arith.constant 0 : i32
      %dma_start3A_22 = tpu.memref_slice %arg4[%add3A, %dma_start3A_21] : memref<32x5760xi32, #tpu.memory_space<hbm>> -> memref<1x5760xi32, #tpu.memory_space<hbm>>
      %dma_start3A_23 = tpu.memref_squeeze %dma_start3A_22 : memref<1x5760xi32, #tpu.memory_space<hbm>> -> memref<5760xi32, #tpu.memory_space<hbm>>
      %dma_start3A_24 = arith.constant 0 : i32
      %dma_start3A_25 = tpu.memref_slice %arg4[%add3A, %dma_start3A_24] : memref<32x5760xi32, #tpu.memory_space<hbm>> -> memref<1x5760xi32, #tpu.memory_space<hbm>>
      %dma_start3A_26 = tpu.memref_squeeze %dma_start3A_25 : memref<1x5760xi32, #tpu.memory_space<hbm>> -> memref<5760xi32, #tpu.memory_space<hbm>>
      %dma_start3A_27 = arith.constant 0 : i32
      %dma_start3A_28 = tpu.memref_slice %arg10[%dma_start3A_27] : memref<5776xi32, #tpu.memory_space<vmem>> -> memref<5760xi32, #tpu.memory_space<vmem>>
      tpu.enqueue_dma source(%dma_start3A_28 : memref<5760xi32, #tpu.memory_space<vmem>>) target(%dma_start3A_26 : memref<5760xi32, #tpu.memory_space<hbm>>) target_semaphore(%run_scoped3A : memref<!tpu.dma_semaphore, #tpu.memory_space<semaphore_mem>>)
      %dma_wait3A = arith.constant 0 : i32
      %dma_wait3A_29 = tpu.memref_slice %arg10[%dma_wait3A] : memref<5776xi32, #tpu.memory_space<vmem>> -> memref<5760xi32, #tpu.memory_space<vmem>>
      %dma_wait3A_30 = arith.constant 0 : i32
      %dma_wait3A_31 = tpu.memref_slice %arg4[%add3A, %dma_wait3A_30] : memref<32x5760xi32, #tpu.memory_space<hbm>> -> memref<1x5760xi32, #tpu.memory_space<hbm>>
      %dma_wait3A_32 = tpu.memref_squeeze %dma_wait3A_31 : memref<1x5760xi32, #tpu.memory_space<hbm>> -> memref<5760xi32, #tpu.memory_space<hbm>>
      %dma_wait3A_33 = arith.constant 0 : i32
      %dma_wait3A_34 = tpu.memref_slice %arg4[%add3A, %dma_wait3A_33] : memref<32x5760xi32, #tpu.memory_space<hbm>> -> memref<1x5760xi32, #tpu.memory_space<hbm>>
      %dma_wait3A_35 = tpu.memref_squeeze %dma_wait3A_34 : memref<1x5760xi32, #tpu.memory_space<hbm>> -> memref<5760xi32, #tpu.memory_space<hbm>>
      %dma_wait3A_36 = arith.constant 0 : i32
      %dma_wait3A_37 = tpu.memref_slice %arg10[%dma_wait3A_36] : memref<5776xi32, #tpu.memory_space<vmem>> -> memref<5760xi32, #tpu.memory_space<vmem>>
      tpu.wait_dma2 semaphore(%run_scoped3A : memref<!tpu.dma_semaphore, #tpu.memory_space<semaphore_mem>>) src(%dma_wait3A_37 : memref<5760xi32, #tpu.memory_space<vmem>>) dst(%dma_wait3A_35 : memref<5760xi32, #tpu.memory_space<hbm>>)
      tpu.yield
    }) : () -> ()
    "tpu.region"() ({
      %run_scoped3A = tpu.sem_alloc : memref<!tpu.dma_semaphore, #tpu.memory_space<semaphore_mem>>
      %dma_start3A = arith.constant 0 : i32
      %dma_start3A_20 = tpu.memref_slice %arg11[%dma_start3A] : memref<5776xi32, #tpu.memory_space<vmem>> -> memref<5760xi32, #tpu.memory_space<vmem>>
      %dma_start3A_21 = arith.constant 0 : i32
      %dma_start3A_22 = tpu.memref_slice %arg5[%add3A, %dma_start3A_21] : memref<32x5760xi32, #tpu.memory_space<hbm>> -> memref<1x5760xi32, #tpu.memory_space<hbm>>
      %dma_start3A_23 = tpu.memref_squeeze %dma_start3A_22 : memref<1x5760xi32, #tpu.memory_space<hbm>> -> memref<5760xi32, #tpu.memory_space<hbm>>
      %dma_start3A_24 = arith.constant 0 : i32
      %dma_start3A_25 = tpu.memref_slice %arg5[%add3A, %dma_start3A_24] : memref<32x5760xi32, #tpu.memory_space<hbm>> -> memref<1x5760xi32, #tpu.memory_space<hbm>>
      %dma_start3A_26 = tpu.memref_squeeze %dma_start3A_25 : memref<1x5760xi32, #tpu.memory_space<hbm>> -> memref<5760xi32, #tpu.memory_space<hbm>>
      %dma_start3A_27 = arith.constant 0 : i32
      %dma_start3A_28 = tpu.memref_slice %arg11[%dma_start3A_27] : memref<5776xi32, #tpu.memory_space<vmem>> -> memref<5760xi32, #tpu.memory_space<vmem>>
      tpu.enqueue_dma source(%dma_start3A_28 : memref<5760xi32, #tpu.memory_space<vmem>>) target(%dma_start3A_26 : memref<5760xi32, #tpu.memory_space<hbm>>) target_semaphore(%run_scoped3A : memref<!tpu.dma_semaphore, #tpu.memory_space<semaphore_mem>>)
      %dma_wait3A = arith.constant 0 : i32
      %dma_wait3A_29 = tpu.memref_slice %arg11[%dma_wait3A] : memref<5776xi32, #tpu.memory_space<vmem>> -> memref<5760xi32, #tpu.memory_space<vmem>>
      %dma_wait3A_30 = arith.constant 0 : i32
      %dma_wait3A_31 = tpu.memref_slice %arg5[%add3A, %dma_wait3A_30] : memref<32x5760xi32, #tpu.memory_space<hbm>> -> memref<1x5760xi32, #tpu.memory_space<hbm>>
      %dma_wait3A_32 = tpu.memref_squeeze %dma_wait3A_31 : memref<1x5760xi32, #tpu.memory_space<hbm>> -> memref<5760xi32, #tpu.memory_space<hbm>>
      %dma_wait3A_33 = arith.constant 0 : i32
      %dma_wait3A_34 = tpu.memref_slice %arg5[%add3A, %dma_wait3A_33] : memref<32x5760xi32, #tpu.memory_space<hbm>> -> memref<1x5760xi32, #tpu.memory_space<hbm>>
      %dma_wait3A_35 = tpu.memref_squeeze %dma_wait3A_34 : memref<1x5760xi32, #tpu.memory_space<hbm>> -> memref<5760xi32, #tpu.memory_space<hbm>>
      %dma_wait3A_36 = arith.constant 0 : i32
      %dma_wait3A_37 = tpu.memref_slice %arg11[%dma_wait3A_36] : memref<5776xi32, #tpu.memory_space<vmem>> -> memref<5760xi32, #tpu.memory_space<vmem>>
      tpu.wait_dma2 semaphore(%run_scoped3A : memref<!tpu.dma_semaphore, #tpu.memory_space<semaphore_mem>>) src(%dma_wait3A_37 : memref<5760xi32, #tpu.memory_space<vmem>>) dst(%dma_wait3A_35 : memref<5760xi32, #tpu.memory_space<hbm>>)
      tpu.yield
    }) : () -> ()
    "tpu.region"() ({
      %run_scoped3A = tpu.sem_alloc : memref<!tpu.dma_semaphore, #tpu.memory_space<semaphore_mem>>
      %dma_start3A = arith.constant 0 : i32
      %dma_start3A_20 = tpu.memref_slice %arg12[%dma_start3A] : memref<5776xi32, #tpu.memory_space<vmem>> -> memref<5760xi32, #tpu.memory_space<vmem>>
      %dma_start3A_21 = arith.constant 0 : i32
      %dma_start3A_22 = tpu.memref_slice %arg6[%add3A, %dma_start3A_21] : memref<32x5760xi32, #tpu.memory_space<hbm>> -> memref<1x5760xi32, #tpu.memory_space<hbm>>
      %dma_start3A_23 = tpu.memref_squeeze %dma_start3A_22 : memref<1x5760xi32, #tpu.memory_space<hbm>> -> memref<5760xi32, #tpu.memory_space<hbm>>
      %dma_start3A_24 = arith.constant 0 : i32
      %dma_start3A_25 = tpu.memref_slice %arg6[%add3A, %dma_start3A_24] : memref<32x5760xi32, #tpu.memory_space<hbm>> -> memref<1x5760xi32, #tpu.memory_space<hbm>>
      %dma_start3A_26 = tpu.memref_squeeze %dma_start3A_25 : memref<1x5760xi32, #tpu.memory_space<hbm>> -> memref<5760xi32, #tpu.memory_space<hbm>>
      %dma_start3A_27 = arith.constant 0 : i32
      %dma_start3A_28 = tpu.memref_slice %arg12[%dma_start3A_27] : memref<5776xi32, #tpu.memory_space<vmem>> -> memref<5760xi32, #tpu.memory_space<vmem>>
      tpu.enqueue_dma source(%dma_start3A_28 : memref<5760xi32, #tpu.memory_space<vmem>>) target(%dma_start3A_26 : memref<5760xi32, #tpu.memory_space<hbm>>) target_semaphore(%run_scoped3A : memref<!tpu.dma_semaphore, #tpu.memory_space<semaphore_mem>>)
      %dma_wait3A = arith.constant 0 : i32
      %dma_wait3A_29 = tpu.memref_slice %arg12[%dma_wait3A] : memref<5776xi32, #tpu.memory_space<vmem>> -> memref<5760xi32, #tpu.memory_space<vmem>>
      %dma_wait3A_30 = arith.constant 0 : i32
      %dma_wait3A_31 = tpu.memref_slice %arg6[%add3A, %dma_wait3A_30] : memref<32x5760xi32, #tpu.memory_space<hbm>> -> memref<1x5760xi32, #tpu.memory_space<hbm>>
      %dma_wait3A_32 = tpu.memref_squeeze %dma_wait3A_31 : memref<1x5760xi32, #tpu.memory_space<hbm>> -> memref<5760xi32, #tpu.memory_space<hbm>>
      %dma_wait3A_33 = arith.constant 0 : i32
      %dma_wait3A_34 = tpu.memref_slice %arg6[%add3A, %dma_wait3A_33] : memref<32x5760xi32, #tpu.memory_space<hbm>> -> memref<1x5760xi32, #tpu.memory_space<hbm>>
      %dma_wait3A_35 = tpu.memref_squeeze %dma_wait3A_34 : memref<1x5760xi32, #tpu.memory_space<hbm>> -> memref<5760xi32, #tpu.memory_space<hbm>>
      %dma_wait3A_36 = arith.constant 0 : i32
      %dma_wait3A_37 = tpu.memref_slice %arg12[%dma_wait3A_36] : memref<5776xi32, #tpu.memory_space<vmem>> -> memref<5760xi32, #tpu.memory_space<vmem>>
      tpu.wait_dma2 semaphore(%run_scoped3A : memref<!tpu.dma_semaphore, #tpu.memory_space<semaphore_mem>>) src(%dma_wait3A_37 : memref<5760xi32, #tpu.memory_space<vmem>>) dst(%dma_wait3A_35 : memref<5760xi32, #tpu.memory_space<hbm>>)
      tpu.yield
    }) : () -> ()
    "tpu.region"() ({
      %run_scoped3A = tpu.sem_alloc : memref<!tpu.dma_semaphore, #tpu.memory_space<semaphore_mem>>
      %dma_start3A = arith.constant 0 : i32
      %dma_start3A_20 = tpu.memref_slice %arg13[%dma_start3A] : memref<5776xi32, #tpu.memory_space<vmem>> -> memref<5760xi32, #tpu.memory_space<vmem>>
      %dma_start3A_21 = arith.constant 0 : i32
      %dma_start3A_22 = tpu.memref_slice %arg7[%add3A, %dma_start3A_21] : memref<32x5760xi32, #tpu.memory_space<hbm>> -> memref<1x5760xi32, #tpu.memory_space<hbm>>
      %dma_start3A_23 = tpu.memref_squeeze %dma_start3A_22 : memref<1x5760xi32, #tpu.memory_space<hbm>> -> memref<5760xi32, #tpu.memory_space<hbm>>
      %dma_start3A_24 = arith.constant 0 : i32
      %dma_start3A_25 = tpu.memref_slice %arg7[%add3A, %dma_start3A_24] : memref<32x5760xi32, #tpu.memory_space<hbm>> -> memref<1x5760xi32, #tpu.memory_space<hbm>>
      %dma_start3A_26 = tpu.memref_squeeze %dma_start3A_25 : memref<1x5760xi32, #tpu.memory_space<hbm>> -> memref<5760xi32, #tpu.memory_space<hbm>>
      %dma_start3A_27 = arith.constant 0 : i32
      %dma_start3A_28 = tpu.memref_slice %arg13[%dma_start3A_27] : memref<5776xi32, #tpu.memory_space<vmem>> -> memref<5760xi32, #tpu.memory_space<vmem>>
      tpu.enqueue_dma source(%dma_start3A_28 : memref<5760xi32, #tpu.memory_space<vmem>>) target(%dma_start3A_26 : memref<5760xi32, #tpu.memory_space<hbm>>) target_semaphore(%run_scoped3A : memref<!tpu.dma_semaphore, #tpu.memory_space<semaphore_mem>>)
      %dma_wait3A = arith.constant 0 : i32
      %dma_wait3A_29 = tpu.memref_slice %arg13[%dma_wait3A] : memref<5776xi32, #tpu.memory_space<vmem>> -> memref<5760xi32, #tpu.memory_space<vmem>>
      %dma_wait3A_30 = arith.constant 0 : i32
      %dma_wait3A_31 = tpu.memref_slice %arg7[%add3A, %dma_wait3A_30] : memref<32x5760xi32, #tpu.memory_space<hbm>> -> memref<1x5760xi32, #tpu.memory_space<hbm>>
      %dma_wait3A_32 = tpu.memref_squeeze %dma_wait3A_31 : memref<1x5760xi32, #tpu.memory_space<hbm>> -> memref<5760xi32, #tpu.memory_space<hbm>>
      %dma_wait3A_33 = arith.constant 0 : i32
      %dma_wait3A_34 = tpu.memref_slice %arg7[%add3A, %dma_wait3A_33] : memref<32x5760xi32, #tpu.memory_space<hbm>> -> memref<1x5760xi32, #tpu.memory_space<hbm>>
      %dma_wait3A_35 = tpu.memref_squeeze %dma_wait3A_34 : memref<1x5760xi32, #tpu.memory_space<hbm>> -> memref<5760xi32, #tpu.memory_space<hbm>>
      %dma_wait3A_36 = arith.constant 0 : i32
      %dma_wait3A_37 = tpu.memref_slice %arg13[%dma_wait3A_36] : memref<5776xi32, #tpu.memory_space<vmem>> -> memref<5760xi32, #tpu.memory_space<vmem>>
      tpu.wait_dma2 semaphore(%run_scoped3A : memref<!tpu.dma_semaphore, #tpu.memory_space<semaphore_mem>>) src(%dma_wait3A_37 : memref<5760xi32, #tpu.memory_space<vmem>>) dst(%dma_wait3A_35 : memref<5760xi32, #tpu.memory_space<hbm>>)
      tpu.yield
    }) : () -> ()
    return
  }
}

module attributes {stable_mosaic.version = 14 : i64} {
  func.func @_pre_body(%arg0: memref<10256x128xf32, #tpu.memory_space<vmem>>, %arg1: memref<1x1xf32, #tpu.memory_space<smem>>, %arg2: memref<10256x144xf32, #tpu.memory_space<vmem>>) attributes {dimension_semantics = [], scalar_prefetch = 0 : i64, scratch_operands = 0 : i64, tpu.core_type = #tpu.core_type<tc>} {
    %get3A = arith.constant 0 : index
    %get3A_0 = arith.constant 0 : index
    %get3A_1 = vector.load %arg0[%get3A, %get3A_0] : memref<10256x128xf32, #tpu.memory_space<vmem>>, vector<10256x128xf32>
    %mul3A = arith.mulf %get3A_1, %get3A_1 : vector<10256x128xf32>
    %reduce_sum3A = arith.constant dense<0.000000e+00> : vector<10256xf32>
    %reduce_sum3A_2 = vector.multi_reduction <add>, %mul3A, %reduce_sum3A [1] : vector<10256x128xf32> to vector<10256xf32>
    %broadcast_in_dim3A = vector.shape_cast %reduce_sum3A_2 : vector<10256xf32> to vector<10256x1xf32>
    %sqrt3A = math.sqrt %broadcast_in_dim3A : vector<10256x1xf32>
    %max3A = arith.constant 9.99999996E-13 : f32
    %max3A_3 = vector.broadcast %max3A : f32 to vector<10256x1xf32>
    %max3A_4 = arith.maximumf %sqrt3A, %max3A_3 : vector<10256x1xf32>
    %div3A = arith.constant 1.000000e+00 : f32
    %div3A_5 = vector.broadcast %div3A : f32 to vector<10256x1xf32>
    %div3A_6 = arith.divf %div3A_5, %max3A_4 : vector<10256x1xf32>
    %swap3A = arith.constant 0 : index
    %swap3A_7 = arith.constant 0 : index
    %swap3A_8 = vector.load %arg2[%swap3A, %swap3A_7] : memref<10256x144xf32, #tpu.memory_space<vmem>>, vector<10256x128xf32>
    tpu.vector_store %arg2[%swap3A, %swap3A_7], %get3A_1 {strides = array<i32>} : memref<10256x144xf32, #tpu.memory_space<vmem>>, vector<10256x128xf32>,
    %swap3A_9 = arith.constant 0 : index
    %swap3A_10 = arith.constant 128 : index
    %swap3A_11 = vector.load %arg2[%swap3A_9, %swap3A_10] : memref<10256x144xf32, #tpu.memory_space<vmem>>, vector<10256x1xf32>
    tpu.vector_store %arg2[%swap3A_9, %swap3A_10], %div3A_6 {strides = array<i32>} : memref<10256x144xf32, #tpu.memory_space<vmem>>, vector<10256x1xf32>,
    %get3A_12 = arith.constant 0 : index
    %get3A_13 = arith.constant 0 : index
    %get3A_14 = memref.load %arg1[%get3A_12, %get3A_13] : memref<1x1xf32, #tpu.memory_space<smem>>
    %mul3A_15 = vector.broadcast %get3A_14 : f32 to vector<10256x1xf32>
    %mul3A_16 = arith.mulf %div3A_6, %mul3A_15 : vector<10256x1xf32>
    %swap3A_17 = arith.constant 0 : index
    %swap3A_18 = arith.constant 129 : index
    %swap3A_19 = vector.load %arg2[%swap3A_17, %swap3A_18] : memref<10256x144xf32, #tpu.memory_space<vmem>>, vector<10256x1xf32>
    tpu.vector_store %arg2[%swap3A_17, %swap3A_18], %mul3A_16 {strides = array<i32>} : memref<10256x144xf32, #tpu.memory_space<vmem>>, vector<10256x1xf32>,
    %broadcast_in_dim3A_20 = arith.constant 0.000000e+00 : f32
    %broadcast_in_dim3A_21 = vector.broadcast %broadcast_in_dim3A_20 : f32 to vector<10256x14xf32>
    %swap3A_22 = arith.constant 0 : index
    %swap3A_23 = arith.constant 130 : index
    %swap3A_24 = vector.load %arg2[%swap3A_22, %swap3A_23] : memref<10256x144xf32, #tpu.memory_space<vmem>>, vector<10256x14xf32>
    tpu.vector_store %arg2[%swap3A_22, %swap3A_23], %broadcast_in_dim3A_21 {strides = array<i32>} : memref<10256x144xf32, #tpu.memory_space<vmem>>, vector<10256x14xf32>,
    return
  }
}

module attributes {stable_mosaic.version = 14 : i64} {
  func.func @_post_body(%arg0: i32, %arg1: memref<1x80x144xf32, #tpu.memory_space<vmem>>, %arg2: memref<80x128xf32, #tpu.memory_space<vmem>>) attributes {dimension_semantics = [#tpu.dimension_semantics<arbitrary>], iteration_bounds = array<i64: 125>, scalar_prefetch = 0 : i64, scratch_operands = 0 : i64, tpu.core_type = #tpu.core_type<tc>, window_params = [{transform_indices = @transform_0, window_bounds = array<i64: 1, 80, 144>}, {transform_indices = @transform_1, window_bounds = array<i64: 80, 128>}]} {
    %get3A = arith.constant 0 : index
    %get3A_0 = arith.constant 0 : index
    %get3A_1 = arith.constant 0 : index
    %get3A_2 = vector.load %arg1[%get3A, %get3A_0, %get3A_1] : memref<1x80x144xf32, #tpu.memory_space<vmem>>, vector<1x80x144xf32>
    %get3A_3 = vector.shape_cast %get3A_2 : vector<1x80x144xf32> to vector<80x144xf32>
    %slice3A = vector.extract_strided_slice %get3A_3 {offsets = [0, 0], sizes = [80, 128], strides = [1, 1]} : vector<80x144xf32> to vector<80x128xf32>
    %slice3A_4 = vector.extract_strided_slice %get3A_3 {offsets = [0, 128], sizes = [80, 1], strides = [1, 1]} : vector<80x144xf32> to vector<80x1xf32>
    %max3A = arith.constant 1.000000e-16 : f32
    %max3A_5 = vector.broadcast %max3A : f32 to vector<80x1xf32>
    %max3A_6 = arith.maximumf %slice3A_4, %max3A_5 : vector<80x1xf32>
    %div3A = vector.broadcast %max3A_6 : vector<80x1xf32> to vector<80x128xf32>
    %div3A_7 = arith.divf %slice3A, %div3A : vector<80x128xf32>
    %max3A_8 = arith.constant 0.000000e+00 : f32
    %max3A_9 = vector.broadcast %max3A_8 : f32 to vector<80x128xf32>
    %max3A_10 = arith.maximumf %div3A_7, %max3A_9 : vector<80x128xf32>
    %swap3A = arith.constant 0 : index
    %swap3A_11 = arith.constant 0 : index
    %swap3A_12 = vector.load %arg2[%swap3A, %swap3A_11] : memref<80x128xf32, #tpu.memory_space<vmem>>, vector<80x128xf32>
    tpu.vector_store %arg2[%swap3A, %swap3A_11], %max3A_10 {strides = array<i32>} : memref<80x128xf32, #tpu.memory_space<vmem>>, vector<80x128xf32>,
    return
  }
  func.func @transform_0(%arg0: i32) -> (i32, i32, i32) {
    %lt3A = arith.constant 64 : i32
    %lt3A_0 = arith.cmpi slt, %arg0, %lt3A : i32
    %jit3A = arith.constant 0 : i32
    %jit3A_1 = arith.constant 1 : i32
    %select_n3A = arith.select %lt3A_0, %jit3A, %jit3A_1 : i32
    %lt3A_2 = arith.constant 64 : i32
    %lt3A_3 = arith.cmpi slt, %arg0, %lt3A_2 : i32
    %sub3A = arith.constant 64 : i32
    %sub3A_4 = arith.subi %arg0, %sub3A : i32
    %select_n3A_5 = arith.select %lt3A_3, %arg0, %sub3A_4 : i32
    %c0_i32 = arith.constant 0 : i32
    %c0_i32_6 = arith.constant 0 : i32
    return %select_n3A, %select_n3A_5, %c0_i32 : i32, i32, i32
  }
  func.func @transform_1(%arg0: i32) -> (i32, i32) {
    %c0_i32 = arith.constant 0 : i32
    %c0_i32_0 = arith.constant 0 : i32
    return %arg0, %c0_i32 : i32, i32
  }
}

</mosaic_0001>

<sc_bundles>
// kernel: kernel.6.cloned.1.call-start
scs
__scs_entry_jumppad:
0x0: {  	(pc) =	sbr.rel $0x88, $3  }
0x1: {  	(tag) =	ssettag $0x0;
	lr =	simm.s32 $0x1  }
0x2: {  	[smem:$0x3F9E] =	sst lr;
	_ =	strace $0xD0000000  }
0x3: {  	_ = 	snop  }
0x4: {  	_ = 	snop  }
0x5: {  	_ = 	snop  }
0x6: {  	_ = 	snop  }
0x7: {  	_ = 	snop  }
__scs_overlays_trampoline_lowered:
0x8: {  	[smem:$0x3FAD] =	sst s0  }
0x9: {  	[smem:$0x3FAE] =	sst s1  }
0xa: {  	[smem:$0x3FAF] =	sst s2  }
0xb: {  	[smem:$0x3FB0] =	sst s3  }
0xc: {  	[smem:$0x3FB1] =	sst s4  }
0xd: {  	[smem:$0x3FB2] =	sst s5  }
0xe: {  	[smem:$0x3FB3] =	sst s6  }
0xf: {  	[smem:$0x3FB4] =	sst s7  }
0x10: {  	[smem:$0x3FB5] =	sst s8  }
0x11: {  	[smem:$0x3FB6] =	sst s9;
	s0 =	simm.s32 @!p0 $0x0  }
0x12: {  	s1 =	sld [smem:$0x3F9C];
	s0 =	simm.s32 @p0 $0x1  }
0x13: {  	[smem:$0x3FB7] =	sst s0;
	s0 =	simm.s32 @!p1 $0x0  }
0x14: {  	s2 =	sld [smem:$0x3F9B];
	s0 =	simm.s32 @p1 $0x1  }
0x15: {  	[smem:$0x3FB8] =	sst s0;
	s0 =	simm.s32 @!p2 $0x0  }
0x16: {  	s3 =	sld [smem:$0x3FDB];
	s0 =	simm.s32 @p2 $0x1  }
0x17: {  	s4 =	simm.s32 $0x1BF5;
	[smem:$0x3FBA] =	sst s0  }
0x18: {  	s0 =	sld [smem:$0x3F9D];
	_ =	swait.ge [sflag:s4], $0x0  }
0x19: {  	s7 =	sld [smem:$0x3F9E]  }
0x1a: {  	s8 =	sadd.s32 $0xFFFFE003, lr  }
0x1b: {  	s9 =	sadd.s32 $0xFFFFFEF7, lr;
	s5 =	simm.s32 $0xFFFFFFFF;
	p2 =	slt.u32 s8, $0xFFFFF086  }
0x1c: {  	p1 =	slt.u32 s9, $0xF7A;
	s5 =	simm.s32 @!p2 $0x0  }
0x1d: {  	s5 =	simm.s32 @p1 $0x1;
	p0 =	seq.s32 s7, s2  }
0x1e: {  	s7 =	smul.u32 @!p0 $0xF7A, s2;
	p2 =	seq.s32 @!p0 s5, $0x0  }
0x1f: {  	s9 =	smul.u32 $0xF7A, s1;
	s8 =	simm.s32 @!p0 $0x1BF5;
	p2 =	por !p2, p0  }
0x20: {  	[sflag:s8] =	ssyncset.s32 @!p0 $0xFFFFF086;
	s6 =	sadd.s32 @!p0 s3, s7;
	s7 =	simm.s32 @!p0 $0x108  }
0x21: {  	s3 =	sadd.s32 s3, s9;
	s6 =	sadd.s32 @!p0 $0x88, s6;
	s7 =	simm.s32 @p2 $0x1082  }
0x22: {  	[simem:s7], [sflag:s8] =	dma.local @!p0 [hbm:s6], $0xF7A  }
0x23: {  	s9 =	sor.u32 $0xD0000000, s2;
	s6 =	simm.s32 $0x108;
	_ =	swait.ge @!p0 [sflag:s8], $0x0  }
0x24: {  	s3 =	sadd.s32 $0x88, s3;
	s6 =	simm.s32 @!p1 $0x1082;
	[sflag:s4] =	ssyncset.s32 $0xFFFFF086  }
0x25: {  	[simem:s6], [sflag:s4] =	dma.local [hbm:s3], $0xF7A  }
0x26: {  	[smem:$0x3F9E] =	sst s1;
	(tag) =	ssettag s2;
	_ =	strace s9  }
0x27: {  	s1 =	sld [smem:$0x3FAE]  }
0x28: {  	s2 =	sld [smem:$0x3FAF]  }
0x29: {  	s4 =	sld [smem:$0x3FB1]  }
0x2a: {  	p0 =	seq.s32 s5, $0x0;
	s5 =	sld [smem:$0x3FB2]  }
0x2b: {  	s6 =	sld [smem:$0x3FB3]  }
0x2c: {  	s7 =	sld [smem:$0x3FB4]  }
0x2d: {  	s3 =	simm.s32 $0x108;
	s8 =	sld [smem:$0x3FB5]  }
0x2e: {  	s3 =	simm.s32 @!p0 $0x1082;
	s9 =	sld [smem:$0x3FB6]  }
0x2f: {  	lr =	sadd.s32 s0, s3;
	s0 =	sld [smem:$0x3FAD]  }
0x30: {  	s3 =	sld [smem:$0x3FB0]  }
0x31: {  	[smem:$0x3FB9] =	sst s10  }
0x32: {  	s10 =	sld [smem:$0x3FB7];
	_ =	sdelay $0x3  }
0x33: {  	p0 =	seq.s32 s10, $0x1;
	s10 =	sld [smem:$0x3FB9];
	_ =	sdelay $0x3  }
0x34: {  	[smem:$0x3FB9] =	sst s10  }
0x35: {  	s10 =	sld [smem:$0x3FB8];
	_ =	sdelay $0x3  }
0x36: {  	p1 =	seq.s32 s10, $0x1;
	s10 =	sld [smem:$0x3FB9];
	_ =	sdelay $0x3  }
0x37: {  	[smem:$0x3FB9] =	sst s10  }
0x38: {  	s10 =	sld [smem:$0x3FBA]  }
0x39: {  	_ = 	snop;
	(pc) =	sbr.ind lr, $3  }
0x3a: {  	_ = 	snop  }
0x3b: {  	_ = 	snop  }
0x3c: {  	p2 =	seq.s32 s10, $0x1;
	s10 =	sld [smem:$0x3FB9]  }
0x3d: {  	_ =	shalt  }
0x3e: {  	_ =	shalt  }
0x3f: {  	_ =	shalt  }
0x40: {  	_ =	shalt  }
0x41: {  	_ =	shalt  }
0x42: {  	_ =	shalt  }
0x43: {  	_ =	shalt  }
0x44: {  	_ =	shalt  }
0x45: {  	_ =	shalt  }
0x46: {  	_ =	shalt  }
0x47: {  	_ =	shalt  }
0x48: {  	_ =	shalt  }
0x49: {  	_ =	shalt  }
0x4a: {  	_ =	shalt  }
0x4b: {  	_ =	shalt  }
0x4c: {  	_ =	shalt  }
0x4d: {  	_ =	shalt  }
0x4e: {  	_ =	shalt  }
0x4f: {  	_ =	shalt  }
0x50: {  	_ =	shalt  }
0x51: {  	_ =	shalt  }
0x52: {  	_ =	shalt  }
0x53: {  	_ =	shalt  }
0x54: {  	_ =	shalt  }
0x55: {  	_ =	shalt  }
0x56: {  	_ =	shalt  }
0x57: {  	_ =	shalt  }
0x58: {  	_ =	shalt  }
0x59: {  	_ =	shalt  }
0x5a: {  	_ =	shalt  }
0x5b: {  	_ =	shalt  }
0x5c: {  	_ =	shalt  }
0x5d: {  	_ =	shalt  }
0x5e: {  	_ =	shalt  }
0x5f: {  	_ =	shalt  }
0x60: {  	_ =	shalt  }
0x61: {  	_ =	shalt  }
0x62: {  	_ =	shalt  }
0x63: {  	_ =	shalt  }
0x64: {  	_ =	shalt  }
0x65: {  	_ =	shalt  }
0x66: {  	_ =	shalt  }
0x67: {  	_ =	shalt  }
0x68: {  	_ =	shalt  }
0x69: {  	_ =	shalt  }
0x6a: {  	_ =	shalt  }
0x6b: {  	_ =	shalt  }
0x6c: {  	_ =	shalt  }
0x6d: {  	_ =	shalt  }
0x6e: {  	_ =	shalt  }
0x6f: {  	_ =	shalt  }
0x70: {  	_ =	shalt  }
0x71: {  	_ =	shalt  }
0x72: {  	_ =	shalt  }
0x73: {  	_ =	shalt  }
0x74: {  	_ =	shalt  }
0x75: {  	_ =	shalt  }
0x76: {  	_ =	shalt  }
0x77: {  	_ =	shalt  }
0x78: {  	_ =	shalt  }
0x79: {  	_ =	shalt  }
0x7a: {  	_ =	shalt  }
0x7b: {  	_ =	shalt  }
0x7c: {  	_ =	shalt  }
0x7d: {  	_ =	shalt  }
0x7e: {  	_ =	shalt  }
0x7f: {  	_ =	shalt  }
0x80: {  	_ =	shalt  }
0x81: {  	_ =	shalt  }
0x82: {  	_ =	shalt  }
0x83: {  	_ =	shalt  }
0x84: {  	_ =	shalt  }
0x85: {  	_ =	shalt  }
0x86: {  	_ =	shalt  }
0x87: {  	_ =	shalt  }
.Lfunc_end0:
.L_simem_size_0:
called_computation_lowered:
.L_overlay_start_0:
0x88: {  	s2 =	sld [smem:$0x3FD9]  }
0x89: {  	s3 =	sld [smem:$0x3FFE];
	_ =	sdelay $0x1  }
0x8a: {  	s1 =	srdreg.scid  }
0x8b: {  	s0 =	sand.u32 $0x1, s1  }
0x8c: {  	s17 =	sshll.u32 s0, $0xA;
	s2 =	sadd.s32 s3, s2  }
0x8d: {  	s2 =	sadd.s32 s2, s17  }
0x8e: {  	[smem:$0x3FC5] =	sst s2  }
0x8f: {  	_ = 	snop  }
0x90: {  	s2 =	sld [smem:$0x3FD0];
	(tm) =	ssettm $0x1  }
0x91: {  	s18 =	sld [smem:$0x3FFB];
	_ =	sdelay $0x3  }
0x92: {  	_ =	strace s18  }
0x93: {  	s3 =	sld [smem:$0x3FFC];
	_ =	sdelay $0x3  }
0x94: {  	_ =	strace s3  }
0x95: {  	s3 =	sld [smem:$0x3FFD];
	_ =	sdelay $0x3  }
0x96: {  	_ =	strace s3  }
0x97: {  	_ =	strace $0x8FFFFFFF  }
0x98: {  	s19 =	sld [smem:$0x3FDB];
	_ =	sdelay $0x1  }
0x99: {  	s4 =	simm.s32 $_scs_section_size  }
0x9a: {  	s5 =	simm.s32 $_size__tile_overlayer_lowered;
	s6 =	simm.s32 $_tile_overlayer_lowered  }
0x9b: {  	s22 =	simm.s32 $0x1BFF;
	s21 =	sshll.u32 s6, $0x1;
	s3 =	sadd.s32 s4, s19  }
0x9c: {  	s7 =	simm.s32 $0x0;
	s20 =	sshll.u32 s5, $0x1;
	s5 =	sadd.s32 s21, s3  }
0x9d: {  	[timem:s7], [sflag:s22] =	dma.local [hbm:s5], s20  }
0x9e: {  	_ =	swait.ge [sflag:s22], s20  }
0x9f: {  	s4 =	ssub.s32 $0x0, s20;
	[sflag:s22] =	ssyncset.done $0x0  }
0xa0: {  	[sflag:s22] =	ssyncadd.s32 s4;
	_ =	sdelay $0x1  }
0xa1: {  	s23 =	simm.s32 $0x1B8B  }
0xa2: {  	_ =	swait.ge [sflag:s23], $0x1  }
0xa3: {  	[sflag:s23] =	ssyncset.done $0x0  }
0xa4: {  	s25 =	simm.s32 $0x1B8E;
	s24 =	sld [smem:$0x3FFE];
	[sflag:s23] =	ssyncadd.s32 $0xFFFFFFFF  }
0xa5: {  	s26 =	simm.s32 $execute0_lowered;
	[smem:$0x3FD2] =	sst s25  }
0xa6: {  	s5 =	sshll.u32 s26, $0x1;
	_ =	strace $0x80000046;
	[dreg:$0x1] =	wrdreg $0xFFFFFFFF  }
0xa7: {  	s28 =	simm.s32 $_size_execute0_lowered;
	s3 =	sadd.s32 s3, s5;
	[dreg:$0x0] =	wrdreg $0x0  }
0xa8: {  	s5 =	sshll.u32 s28, $0x1;
	[dreg:$0x2] =	wrdreg s3  }
0xa9: {  	[dreg:$0x3] =	wrdreg s5  }
0xaa: {  	[dreg:$0x4] =	wrdreg $0xC0  }
0xab: {  	_ =	task [dreg:s7], $0x5FFFF  }
0xac: {  	[dreg:$0x1] =	wrdreg $0xFFFFFFFF  }
0xad: {  	[dreg:$0x0] =	wrdreg $0x60  }
0xae: {  	[dreg:$0x2] =	wrdreg s24  }
0xaf: {  	[dreg:$0x3] =	wrdreg s2  }
0xb0: {  	[dreg:$0x4] =	wrdreg $0x9  }
0xb1: {  	_ =	task.clear_ibuf [dreg:s7], $0x5FFFF;
	_ =	strace $0x90000046  }
0xb2: {  	s29 =	simm.s32 $0x9;
	_ =	strace $0x80000048  }
0xb3: {  	_ =	swait.ge [sflag:s29], $0x1  }
0xb4: {  	[sflag:s29] =	ssyncadd.s32 $0xFFFFFFFF  }
0xb5: {  	_ =	strace $0x90000048  }
0xb6: {  	_ =	sfence  }
0xb7: {  	s30 =	sld [smem:$0x0];
	_ =	sdelay $0x2  }
0xb8: {  	s31 =	sshll.u32 s1, $0xD;
	s1 =	sshrl.u32 s1, $0x2  }
0xb9: {  	s3 =	sand.u32 $0x4000, s31;
	s1 =	sadd.s32 s1, s30  }
0xba: {  	s0 =	sor.u32 s3, s0;
	s1 =	sshll.u32 s1, $0x11  }
0xbb: {  	s0 =	sor.u32 s1, s0  }
0xbc: {  	s0 =	sadd.s32 $0x8F2B, s0  }
0xbd: {  	[sflag:s0] =	ssyncadd.remote.s32 $0x1  }
0xbe: {  	_ =	sfence.sel $0xFFFF  }
0xbf: {  	[dreg:$0x0] =	wrdreg $0xFFFFFFFF;
	(pc) =	sbr.abs _section_cstart, $3  }
0xc0: {  	[dreg:$0x1] =	wrdreg $0xFFFFFFFF  }
0xc1: {  	_ =	task.clear_ibuf [dreg:s7], $0x2FFFF;
	_ =	strace $0x9FFFFFFF  }
0xc2: {  	(tm) =	ssettm $0x7FFFFFFF  }
0xc3: {  	_ =	shalt  }
tec
execute0_lowered:
.L_overlay_start_1:
0x0: {  	(tag) =	ssettag $0x1  }
0x1: {  	s1 =	srdreg.scid;
	s3 =	rddreg [dreg:$0x0]  }
0x2: {  	s0 =	stileid.u32;
	s5 =	rddreg [dreg:$0x1];
	s2 =	simm.s32 $0x0  }
0x3: {  	s11 =	simm.s32 $0x2710;
	s12 =	simm.s32 $0x4E20;
	s13 =	simm.s32 $0x64B0  }
0x4: {  	s14 =	simm.s32 $0x7B40;
	s4 =	sand.u32 $0x1, s1;
	s30 =	sshll.u32 s0, $0x1  }
0x5: {  	s15 =	simm.s32 $0x91D0;
	s16 =	simm.s32 $0x0;
	s6 =	sor.u32 s4, s30  }
0x6: {  	s1 =	rddreg [dreg:$0x2];
	s4 =	ssub.s32 $0x2, s4;
	s7 =	smul.u32 $0x4E2, s6  }
0x7: {  	[smem:$0x7FF] =	sst s2;
	s6 =	smul.u32 $0x2D0, s6;
	s31 =	sshrl.u32 s4, $0x1  }
0x8: {  	_ =	strace $0x80000047;
	s10 =	ssub.s32 s4, s31;
	s8 =	sadd.s32 s7, s3  }
0x9: {  	s9 =	sadd.s32 s6, s3;
	s4 =	sadd.s32 s5, s7;
	s3 =	sadd.s32 $0xC00, s8  }
0xa: {  	s5 =	sadd.s32 $0xAA00, s9;
	s6 =	sadd.s32 $0x10400, s9;
	s7 =	sadd.s32 $0x15E00, s9  }
0xb: {  	v0 =	vimm.s32 $0x0;
	v1 =	vimm.s32 $0x1407;
	v2 =	vimm.s32 $0x280F;
	s8 =	sadd.s32 $0x1B800, s9;
	s9 =	smax.u32 s10, $0x1;
	s10 =	simm.s32 $0x1  }
.LBB2_1:
0xc: {  	[tilespmem:s2], [sflag:$0x1] =	stream.linear.gather [hbm4b:s3+s2], $0x2710, $0x38;
	[tilespmem:$0xA860] =	vst v63  }
0xd: {  	_ =	swait.ge [sflag:s10], $0x2710  }
0xe: {  	[sflag:s10] =	ssyncset.done $0x0  }
0xf: {  	[sflag:s10] =	ssyncadd.s32 $0xFFFFD8F0  }
0x10: {  	[tilespmem:s11], [sflag:$0x1] =	stream.linear.gather [hbm4b:s4+s2], $0x2710, $0x38;
	[tilespmem:$0xA860] =	vst v63  }
0x11: {  	_ =	swait.ge [sflag:s10], $0x2710  }
0x12: {  	[sflag:s10] =	ssyncset.done $0x0  }
0x13: {  	s17 =	simm.s32 $0x0;
	[sflag:s10] =	ssyncadd.s32 $0xFFFFD8F0  }
.LBB2_2:
0x14: {  	p0 =	sne.s32 s17, $0x5A00  }
.Ltmp0:
0x15: {  	s18 =	sshra.s32 s17, $0x2;
	(pc) =	sbr.rel @p0 .LBB2_2-.Ltmp0, $4  }
0x16: {  	[tilespmem:s18+$0x4E20] =	vst v0  }
0x17: {  	[tilespmem:s18+$0x64B0] =	vst v1  }
0x18: {  	[tilespmem:s18+$0x7B40] =	vst v0  }
0x19: {  	s17 =	sadd.s32 $0x40, s17;
	[tilespmem:s18+$0x91D0] =	vst v2  }
0x1a: {  	s17 =	simm.s32 $0x0  }
0x1b: {  	v3 =	vld [tilespmem:s17+$0x2710];
	_ =	sdelay $0x4  }
0x1c: {  	vm0 =	vlt.s32 v3, $0x1400  }
0x1d: {  	v4 =	vmpcnt.ones.xlane vm0  }
0x1e: {  	v5 =	vld [tilespmem:s17+$0x0]  }
0x1f: {  	(v2sf) =	vpush v4, $0x0;
	_ =	sdelay $0x1  }
0x20: {  	p0 =	por $0x0, $0x0  }
0x21: {  	s17 =	simm.s32 $0x0;
	vm0 =	vlt.s32 @!p0 v3, $0x1400  }
0x22: {  	[tilespmem:s17+$0x4E20] =	vst.msk @!p0 vm0, v5  }
0x23: {  	[tilespmem:s17+$0x64B0] =	vst.msk @!p0 vm0, v3;
	vm0 =	vgt.s32 @!p0 v3, $0x13FF  }
0x24: {  	[tilespmem:s17+$0x7B40] =	vst.msk @!p0 vm0, v5  }
0x25: {  	s19 =	simm.s32 $0x10;
	[tilespmem:s17+$0x91D0] =	vst.msk @!p0 vm0, v3  }
0x26: {  	v3 =	vld [tilespmem:s19+$0x2710];
	_ =	sdelay $0x4  }
0x27: {  	vm15 =	vlt.s32 v3, $0x1400  }
0x28: {  	v5 =	vmpcnt.ones.xlane vm15  }
0x29: {  	v4 =	vld [tilespmem:s19+$0x0];
	s20 =	spop (v2sf)  }
0x2a: {  	s18 =	simm.s32 $0x80;
	(v2sf) =	vpush v5, $0x0;
	s17 =	sadd.s32 $0x0, s20;
	s19 =	ssub.s32 $0x0, s20  }
.LBB2_4:
0x2b: {  	s19 =	sadd.s32 $0x10, s19;
	s20 =	smov.u32 s18;
	s18 =	sadd.s32 $0x40, s18  }
0x2c: {  	p1 =	sgt.s32 s17, $0x1680;
	p0 =	sne.s32 s18, $0x9C40  }
0x2d: {  	vm0 =	vlt.s32 @!p1 v3, $0x1400  }
0x2e: {  	p2 =	sgt.s32 s19, $0x1680;
	[tilespmem:s17+$0x4E20] =	vst.msk @!p1 vm0, v4  }
0x2f: {  	[tilespmem:s17+$0x64B0] =	vst.msk @!p1 vm0, v3;
	vm0 =	vgt.s32 @!p2 v3, $0x13FF  }
0x30: {  	[tilespmem:s19+$0x7B40] =	vst.msk @!p2 vm0, v4  }
0x31: {  	s20 =	sshra.s32 s20, $0x2;
	[tilespmem:s19+$0x91D0] =	vst.msk @!p2 vm0, v3  }
0x32: {  	v3 =	vld [tilespmem:s20+$0x2710];
	_ =	sdelay $0x3  }
.Ltmp1:
0x33: {  	(pc) =	sbr.rel @p0 .LBB2_4-.Ltmp1, $4  }
0x34: {  	vm0 =	vlt.s32 v3, $0x1400  }
0x35: {  	v5 =	vmpcnt.ones.xlane vm0  }
0x36: {  	v4 =	vld [tilespmem:s20+$0x0];
	s20 =	spop (v2sf)  }
0x37: {  	(v2sf) =	vpush v5, $0x0;
	s17 =	sadd.s32 s17, s20;
	s19 =	ssub.s32 s19, s20  }
0x38: {  	_ =	sdelay $0x6  }
0x39: {  	p0 =	sgt.s32 s17, $0x1680  }
0x3a: {  	s18 =	sadd.s32 $0x10, s19;
	vm0 =	vlt.s32 @!p0 v3, $0x1400  }
0x3b: {  	p1 =	sgt.s32 s18, $0x1680;
	[tilespmem:s17+$0x4E20] =	vst.msk @!p0 vm0, v4  }
0x3c: {  	[tilespmem:s17+$0x64B0] =	vst.msk @!p0 vm0, v3;
	vm0 =	vgt.s32 @!p1 v3, $0x13FF  }
0x3d: {  	[tilespmem:s18+$0x7B40] =	vst.msk @!p1 vm0, v4  }
0x3e: {  	[tilespmem:s18+$0x91D0] =	vst.msk @!p1 vm0, v3  }
0x3f: {  	[hbm4b:s5+s2] =	stream.linear.scatter [tilespmem:s12], [sflag:$0x1], $0x1680, $0x38;
	[tilespmem:$0xA860] =	vst v63  }
0x40: {  	s31 =	spop (v2sf)  }
0x41: {  	_ =	swait.ge [sflag:s10], $0x1680  }
0x42: {  	[sflag:s10] =	ssyncset.done $0x0  }
0x43: {  	[sflag:s10] =	ssyncadd.s32 $0xFFFFE980  }
0x44: {  	[hbm4b:s6+s2] =	stream.linear.scatter [tilespmem:s13], [sflag:$0x1], $0x1680, $0x38;
	[tilespmem:$0xA860] =	vst v63  }
0x45: {  	_ =	swait.ge [sflag:s10], $0x1680  }
0x46: {  	[sflag:s10] =	ssyncset.done $0x0  }
0x47: {  	[sflag:s10] =	ssyncadd.s32 $0xFFFFE980  }
0x48: {  	[hbm4b:s7+s2] =	stream.linear.scatter [tilespmem:s14], [sflag:$0x1], $0x1680, $0x38;
	[tilespmem:$0xA860] =	vst v63  }
0x49: {  	s16 =	sadd.s32 $0x1, s16;
	_ =	swait.ge [sflag:s10], $0x1680  }
0x4a: {  	p0 =	sne.s32 s16, s9;
	[sflag:s10] =	ssyncset.done $0x0  }
.Ltmp2:
0x4b: {  	[sflag:s10] =	ssyncadd.s32 $0xFFFFE980;
	(pc) =	sbr.rel @p0 .LBB2_1-.Ltmp2, $4  }
0x4c: {  	[hbm4b:s8+s2] =	stream.linear.scatter [tilespmem:s15], [sflag:$0x1], $0x1680, $0x38;
	[tilespmem:$0xA860] =	vst v63  }
0x4d: {  	_ =	swait.ge [sflag:s10], $0x1680  }
0x4e: {  	[sflag:s10] =	ssyncset.done $0x0  }
0x4f: {  	[sflag:s10] =	ssyncadd.s32 $0xFFFFE980  }
0x50: {  	_ =	sfence.sel $0x180000  }
0x51: {  	[bflag:$0x0] =	sbarrier.arrive $0xFFFF  }
0x52: {  	p0 =	sne.s32 s0, $0x0;
	_ =	strace $0x90000047  }
0x53: {  	s0 =	sadd.s32 @!p0 $0x100000, s1;
	[bflag:$0x2] =	sbarrier.arrive $0xFFFF  }
0x54: {  	[sflag:s0] =	ssyncadd.tile.s32 @!p0 $0x1;
	_ =	shalt  }
.Lfunc_end2:
_tile_overlayer_lowered:
.L_overlay_start_2:
0x55: {  	(tag) =	ssettag $0x2  }
0x56: {  	s0 =	rddreg [dreg:$0x0];
	s2 =	stileid.u32  }
0x57: {  	s1 =	rddreg [dreg:$0x1];
	p0 =	sne.s32 s2, $0x0  }
0x58: {  	s3 =	rddreg [dreg:$0x2];
	[bflag:$0x3] =	sbarrier.arrive $0xFFFF;
	s2 =	simm.s32 @!p0 $0x1C01  }
0x59: {  	[timem:s3], [sflag:s2] =	dma.local @!p0 [hbm:s0], s1  }
0x5a: {  	s0 =	simm.s32 @!p0 $0x1  }
0x5b: {  	_ =	swait.ge @!p0 [sflag:s0], s1  }
0x5c: {  	s1 =	ssub.s32 @!p0 $0x0, s1;
	[sflag:s0] =	ssyncset.done @!p0 $0x0  }
0x5d: {  	[sflag:s0] =	ssyncadd.s32 @!p0 s1  }
0x5e: {  	[bflag:$0x3] =	sbarrier.arrive $0xFFFF  }
0x5f: {  	_ =	shalt  }

// kernel: kernel.9.cloned.1.call-start
scs
__scs_entry_jumppad:
0x0: {  	(pc) =	sbr.rel $0x88, $3  }
0x1: {  	(tag) =	ssettag $0x0;
	lr =	simm.s32 $0x1  }
0x2: {  	[smem:$0x3F9E] =	sst lr;
	_ =	strace $0xD0000000  }
0x3: {  	_ = 	snop  }
0x4: {  	_ = 	snop  }
0x5: {  	_ = 	snop  }
0x6: {  	_ = 	snop  }
0x7: {  	_ = 	snop  }
__scs_overlays_trampoline_lowered:
0x8: {  	[smem:$0x3FAD] =	sst s0  }
0x9: {  	[smem:$0x3FAE] =	sst s1  }
0xa: {  	[smem:$0x3FAF] =	sst s2  }
0xb: {  	[smem:$0x3FB0] =	sst s3  }
0xc: {  	[smem:$0x3FB1] =	sst s4  }
0xd: {  	[smem:$0x3FB2] =	sst s5  }
0xe: {  	[smem:$0x3FB3] =	sst s6  }
0xf: {  	[smem:$0x3FB4] =	sst s7  }
0x10: {  	[smem:$0x3FB5] =	sst s8  }
0x11: {  	[smem:$0x3FB6] =	sst s9;
	s0 =	simm.s32 @!p0 $0x0  }
0x12: {  	s1 =	sld [smem:$0x3F9C];
	s0 =	simm.s32 @p0 $0x1  }
0x13: {  	[smem:$0x3FB7] =	sst s0;
	s0 =	simm.s32 @!p1 $0x0  }
0x14: {  	s2 =	sld [smem:$0x3F9B];
	s0 =	simm.s32 @p1 $0x1  }
0x15: {  	[smem:$0x3FB8] =	sst s0;
	s0 =	simm.s32 @!p2 $0x0  }
0x16: {  	s3 =	sld [smem:$0x3FDB];
	s0 =	simm.s32 @p2 $0x1  }
0x17: {  	s4 =	simm.s32 $0x1BF5;
	[smem:$0x3FBA] =	sst s0  }
0x18: {  	s0 =	sld [smem:$0x3F9D];
	_ =	swait.ge [sflag:s4], $0x0  }
0x19: {  	s7 =	sld [smem:$0x3F9E]  }
0x1a: {  	s8 =	sadd.s32 $0xFFFFE003, lr  }
0x1b: {  	s9 =	sadd.s32 $0xFFFFFEF7, lr;
	s5 =	simm.s32 $0xFFFFFFFF;
	p2 =	slt.u32 s8, $0xFFFFF086  }
0x1c: {  	p1 =	slt.u32 s9, $0xF7A;
	s5 =	simm.s32 @!p2 $0x0  }
0x1d: {  	s5 =	simm.s32 @p1 $0x1;
	p0 =	seq.s32 s7, s2  }
0x1e: {  	s7 =	smul.u32 @!p0 $0xF7A, s2;
	p2 =	seq.s32 @!p0 s5, $0x0  }
0x1f: {  	s9 =	smul.u32 $0xF7A, s1;
	s8 =	simm.s32 @!p0 $0x1BF5;
	p2 =	por !p2, p0  }
0x20: {  	[sflag:s8] =	ssyncset.s32 @!p0 $0xFFFFF086;
	s6 =	sadd.s32 @!p0 s3, s7;
	s7 =	simm.s32 @!p0 $0x108  }
0x21: {  	s3 =	sadd.s32 s3, s9;
	s6 =	sadd.s32 @!p0 $0x88, s6;
	s7 =	simm.s32 @p2 $0x1082  }
0x22: {  	[simem:s7], [sflag:s8] =	dma.local @!p0 [hbm:s6], $0xF7A  }
0x23: {  	s9 =	sor.u32 $0xD0000000, s2;
	s6 =	simm.s32 $0x108;
	_ =	swait.ge @!p0 [sflag:s8], $0x0  }
0x24: {  	s3 =	sadd.s32 $0x88, s3;
	s6 =	simm.s32 @!p1 $0x1082;
	[sflag:s4] =	ssyncset.s32 $0xFFFFF086  }
0x25: {  	[simem:s6], [sflag:s4] =	dma.local [hbm:s3], $0xF7A  }
0x26: {  	[smem:$0x3F9E] =	sst s1;
	(tag) =	ssettag s2;
	_ =	strace s9  }
0x27: {  	s1 =	sld [smem:$0x3FAE]  }
0x28: {  	s2 =	sld [smem:$0x3FAF]  }
0x29: {  	s4 =	sld [smem:$0x3FB1]  }
0x2a: {  	p0 =	seq.s32 s5, $0x0;
	s5 =	sld [smem:$0x3FB2]  }
0x2b: {  	s6 =	sld [smem:$0x3FB3]  }
0x2c: {  	s7 =	sld [smem:$0x3FB4]  }
0x2d: {  	s3 =	simm.s32 $0x108;
	s8 =	sld [smem:$0x3FB5]  }
0x2e: {  	s3 =	simm.s32 @!p0 $0x1082;
	s9 =	sld [smem:$0x3FB6]  }
0x2f: {  	lr =	sadd.s32 s0, s3;
	s0 =	sld [smem:$0x3FAD]  }
0x30: {  	s3 =	sld [smem:$0x3FB0]  }
0x31: {  	[smem:$0x3FB9] =	sst s10  }
0x32: {  	s10 =	sld [smem:$0x3FB7];
	_ =	sdelay $0x3  }
0x33: {  	p0 =	seq.s32 s10, $0x1;
	s10 =	sld [smem:$0x3FB9];
	_ =	sdelay $0x3  }
0x34: {  	[smem:$0x3FB9] =	sst s10  }
0x35: {  	s10 =	sld [smem:$0x3FB8];
	_ =	sdelay $0x3  }
0x36: {  	p1 =	seq.s32 s10, $0x1;
	s10 =	sld [smem:$0x3FB9];
	_ =	sdelay $0x3  }
0x37: {  	[smem:$0x3FB9] =	sst s10  }
0x38: {  	s10 =	sld [smem:$0x3FBA]  }
0x39: {  	_ = 	snop;
	(pc) =	sbr.ind lr, $3  }
0x3a: {  	_ = 	snop  }
0x3b: {  	_ = 	snop  }
0x3c: {  	p2 =	seq.s32 s10, $0x1;
	s10 =	sld [smem:$0x3FB9]  }
0x3d: {  	_ =	shalt  }
0x3e: {  	_ =	shalt  }
0x3f: {  	_ =	shalt  }
0x40: {  	_ =	shalt  }
0x41: {  	_ =	shalt  }
0x42: {  	_ =	shalt  }
0x43: {  	_ =	shalt  }
0x44: {  	_ =	shalt  }
0x45: {  	_ =	shalt  }
0x46: {  	_ =	shalt  }
0x47: {  	_ =	shalt  }
0x48: {  	_ =	shalt  }
0x49: {  	_ =	shalt  }
0x4a: {  	_ =	shalt  }
0x4b: {  	_ =	shalt  }
0x4c: {  	_ =	shalt  }
0x4d: {  	_ =	shalt  }
0x4e: {  	_ =	shalt  }
0x4f: {  	_ =	shalt  }
0x50: {  	_ =	shalt  }
0x51: {  	_ =	shalt  }
0x52: {  	_ =	shalt  }
0x53: {  	_ =	shalt  }
0x54: {  	_ =	shalt  }
0x55: {  	_ =	shalt  }
0x56: {  	_ =	shalt  }
0x57: {  	_ =	shalt  }
0x58: {  	_ =	shalt  }
0x59: {  	_ =	shalt  }
0x5a: {  	_ =	shalt  }
0x5b: {  	_ =	shalt  }
0x5c: {  	_ =	shalt  }
0x5d: {  	_ =	shalt  }
0x5e: {  	_ =	shalt  }
0x5f: {  	_ =	shalt  }
0x60: {  	_ =	shalt  }
0x61: {  	_ =	shalt  }
0x62: {  	_ =	shalt  }
0x63: {  	_ =	shalt  }
0x64: {  	_ =	shalt  }
0x65: {  	_ =	shalt  }
0x66: {  	_ =	shalt  }
0x67: {  	_ =	shalt  }
0x68: {  	_ =	shalt  }
0x69: {  	_ =	shalt  }
0x6a: {  	_ =	shalt  }
0x6b: {  	_ =	shalt  }
0x6c: {  	_ =	shalt  }
0x6d: {  	_ =	shalt  }
0x6e: {  	_ =	shalt  }
0x6f: {  	_ =	shalt  }
0x70: {  	_ =	shalt  }
0x71: {  	_ =	shalt  }
0x72: {  	_ =	shalt  }
0x73: {  	_ =	shalt  }
0x74: {  	_ =	shalt  }
0x75: {  	_ =	shalt  }
0x76: {  	_ =	shalt  }
0x77: {  	_ =	shalt  }
0x78: {  	_ =	shalt  }
0x79: {  	_ =	shalt  }
0x7a: {  	_ =	shalt  }
0x7b: {  	_ =	shalt  }
0x7c: {  	_ =	shalt  }
0x7d: {  	_ =	shalt  }
0x7e: {  	_ =	shalt  }
0x7f: {  	_ =	shalt  }
0x80: {  	_ =	shalt  }
0x81: {  	_ =	shalt  }
0x82: {  	_ =	shalt  }
0x83: {  	_ =	shalt  }
0x84: {  	_ =	shalt  }
0x85: {  	_ =	shalt  }
0x86: {  	_ =	shalt  }
0x87: {  	_ =	shalt  }
.Lfunc_end0:
.L_simem_size_0:
called_computation.1_lowered:
.L_overlay_start_0:
0x88: {  	s2 =	sld [smem:$0x3FD9]  }
0x89: {  	s3 =	sld [smem:$0x3FFE];
	_ =	sdelay $0x1  }
0x8a: {  	s1 =	srdreg.scid  }
0x8b: {  	s0 =	sand.u32 $0x1, s1  }
0x8c: {  	s16 =	sshll.u32 s0, $0xA;
	s2 =	sadd.s32 s3, s2  }
0x8d: {  	s2 =	sadd.s32 s2, s16  }
0x8e: {  	[smem:$0x3FC5] =	sst s2  }
0x8f: {  	_ = 	snop  }
0x90: {  	(tm) =	ssettm $0x1  }
0x91: {  	s17 =	sld [smem:$0x3FFB];
	_ =	sdelay $0x3  }
0x92: {  	_ =	strace s17  }
0x93: {  	s2 =	sld [smem:$0x3FFC];
	_ =	sdelay $0x3  }
0x94: {  	_ =	strace s2  }
0x95: {  	s2 =	sld [smem:$0x3FFD];
	_ =	sdelay $0x3  }
0x96: {  	_ =	strace s2  }
0x97: {  	_ =	strace $0x8FFFFFFF  }
0x98: {  	s18 =	sld [smem:$0x3FDB];
	_ =	sdelay $0x1  }
0x99: {  	s19 =	simm.s32 $_scs_section_size  }
0x9a: {  	s4 =	simm.s32 $_size__tile_overlayer_lowered;
	s5 =	simm.s32 $_tile_overlayer_lowered  }
0x9b: {  	s22 =	simm.s32 $0x1BFF;
	s21 =	sshll.u32 s5, $0x1;
	s2 =	sadd.s32 s19, s18  }
0x9c: {  	s6 =	simm.s32 $0x0;
	s20 =	sshll.u32 s4, $0x1;
	s4 =	sadd.s32 s21, s2  }
0x9d: {  	[timem:s6], [sflag:s22] =	dma.local [hbm:s4], s20  }
0x9e: {  	_ =	swait.ge [sflag:s22], s20  }
0x9f: {  	s3 =	ssub.s32 $0x0, s20;
	[sflag:s22] =	ssyncset.done $0x0  }
0xa0: {  	[sflag:s22] =	ssyncadd.s32 s3;
	_ =	sdelay $0x1  }
0xa1: {  	s23 =	simm.s32 $0x1B8B  }
0xa2: {  	_ =	swait.ge [sflag:s23], $0x1  }
0xa3: {  	[sflag:s23] =	ssyncset.done $0x0  }
0xa4: {  	s25 =	simm.s32 $0x1B8E;
	s24 =	sld [smem:$0x3FFE];
	[sflag:s23] =	ssyncadd.s32 $0xFFFFFFFF  }
0xa5: {  	s26 =	simm.s32 $execute0_lowered;
	[smem:$0x3FD2] =	sst s25  }
0xa6: {  	s4 =	sshll.u32 s26, $0x1;
	_ =	strace $0x80000049;
	[dreg:$0x1] =	wrdreg $0xFFFFFFFF  }
0xa7: {  	s28 =	simm.s32 $_size_execute0_lowered;
	s2 =	sadd.s32 s2, s4;
	[dreg:$0x0] =	wrdreg $0x0  }
0xa8: {  	s4 =	sshll.u32 s28, $0x1;
	[dreg:$0x2] =	wrdreg s2  }
0xa9: {  	[dreg:$0x3] =	wrdreg s4  }
0xaa: {  	[dreg:$0x4] =	wrdreg $0xC0  }
0xab: {  	_ =	task [dreg:s6], $0x5FFFF  }
0xac: {  	[dreg:$0x1] =	wrdreg $0xFFFFFFFF  }
0xad: {  	[dreg:$0x0] =	wrdreg $0x60  }
0xae: {  	[dreg:$0x2] =	wrdreg s24  }
0xaf: {  	[dreg:$0x3] =	wrdreg $0xE1500  }
0xb0: {  	[dreg:$0x4] =	wrdreg $0x9  }
0xb1: {  	_ =	task.clear_ibuf [dreg:s6], $0x5FFFF;
	_ =	strace $0x90000049  }
0xb2: {  	s29 =	simm.s32 $0x9;
	_ =	strace $0x8000004B  }
0xb3: {  	_ =	swait.ge [sflag:s29], $0x1  }
0xb4: {  	[sflag:s29] =	ssyncadd.s32 $0xFFFFFFFF  }
0xb5: {  	_ =	strace $0x9000004B  }
0xb6: {  	_ =	sfence  }
0xb7: {  	s30 =	sld [smem:$0x0];
	_ =	sdelay $0x2  }
0xb8: {  	s31 =	sshll.u32 s1, $0xD;
	s1 =	sshrl.u32 s1, $0x2  }
0xb9: {  	s3 =	sand.u32 $0x4000, s31;
	s1 =	sadd.s32 s1, s30  }
0xba: {  	s0 =	sor.u32 s3, s0;
	s1 =	sshll.u32 s1, $0x11  }
0xbb: {  	s0 =	sor.u32 s1, s0  }
0xbc: {  	s0 =	sadd.s32 $0x8F2B, s0  }
0xbd: {  	[sflag:s0] =	ssyncadd.remote.s32 $0x1  }
0xbe: {  	_ =	sfence.sel $0xFFFF  }
0xbf: {  	[dreg:$0x0] =	wrdreg $0xFFFFFFFF;
	(pc) =	sbr.abs _section_cstart, $3  }
0xc0: {  	[dreg:$0x1] =	wrdreg $0xFFFFFFFF  }
0xc1: {  	_ =	task.clear_ibuf [dreg:s6], $0x2FFFF;
	_ =	strace $0x9FFFFFFF  }
0xc2: {  	(tm) =	ssettm $0x7FFFFFFF  }
0xc3: {  	_ =	shalt  }
tec
execute0_lowered:
.L_overlay_start_1:
0x0: {  	(tag) =	ssettag $0x1  }
0x1: {  	s0 =	rddreg [dreg:$0x0]  }
0x2: {  	s1 =	rddreg [dreg:$0x1]  }
0x3: {  	s2 =	simm.s32 $0x0;
	s4 =	srdreg.scid;
	s24 =	stileid.u32  }
0x4: {  	s21 =	simm.s32 $0xB450;
	s22 =	simm.s32 $0x50;
	s23 =	simm.s32 $0x5A50  }
0x5: {  	s28 =	simm.s32 $0x0;
	[smem:$0x7FF] =	sst s2;
	s3 =	sadd.s32 $0x21200, s0  }
0x6: {  	s14 =	sadd.s32 $0xAA00, s0;
	s16 =	sadd.s32 $0x10400, s0;
	s7 =	smul.u32 $0x2D00, s24  }
0x7: {  	s10 =	sand.u32 $0x1, s4;
	s12 =	sadd.s32 $0x15E00, s0;
	s25 =	smul.u32 $0x2D000, s24  }
0x8: {  	s15 =	sadd.s32 $0x1B800, s0;
	s0 =	sadd.s32 $0x4E400, s0;
	s11 =	smul.u32 $0xB400, s24  }
0x9: {  	s17 =	smul.u32 $0x5A0, s24;
	s9 =	sadd.s32 $0xB4000, s1;
	_ =	strace $0x8000004A  }
0xa: {  	s5 =	ssub.s32 $0x2, s10;
	p0 =	seq.s32 s10, $0x1;
	s19 =	smul.u32 $0xB4900, s10  }
0xb: {  	s20 =	smul.u32 $0x1400, s10;
	s6 =	sshrl.u32 s5, $0x1;
	s26 =	sshrl.u32 s7, $0x3  }
0xc: {  	s29 =	sshrl.u32 s25, $0x2;
	s14 =	smov.u32 @p0 s12;
	s16 =	smov.u32 @p0 s15  }
0xd: {  	p0 =	sne.s32 s24, $0xF;
	s24 =	simm.s32 $0x8750;
	s25 =	simm.s32 $0x1  }
0xe: {  	s13 =	ssub.s32 s5, s6;
	s18 =	sadd.s32 $0x2D0, s26;
	s5 =	sadd.s32 s11, s1  }
0xf: {  	s8 =	sadd.s32 s29, s1;
	s11 =	sadd.s32 s11, s19;
	s19 =	sshrl.u32 s19, $0x3  }
0x10: {  	s15 =	sadd.s32 s16, s17;
	s26 =	simm.s32 $0x5A00;
	s6 =	sadd.s32 $0x2D00, s8  }
0x11: {  	s7 =	sadd.s32 $0x5A00, s8;
	s8 =	sadd.s32 $0x8700, s8;
	s30 =	sshrl.u32 s11, $0x3  }
0x12: {  	s31 =	sadd.s32 s0, s19;
	s12 =	smax.u32 s13, $0x1;
	s13 =	sadd.s32 s14, s17  }
0x13: {  	s14 =	sadd.s32 s14, s18;
	s16 =	sadd.s32 s16, s18;
	s17 =	simm.s32 $0x2  }
0x14: {  	v1 =	vimm.f32 $0.0e+00;
	vm0 =	vmmov $0x1;
	v0 =	vmov s20;
	[dreg:$0x3] =	wrdreg s6;
	s10 =	sadd.s32 s0, s30;
	s11 =	sadd.s32 $0x16800, s31  }
.LBB2_1:
0x15: {  	[tilespmem:s2], [sflag:$0x2] =	stream.linear.gather [hbm4b:s13+s2], $0x1680, $0x38;
	[tilespmem:$0x195E0] =	vst v63  }
0x16: {  	_ =	swait.ge [sflag:s17], $0x1680  }
0x17: {  	[sflag:s17] =	ssyncset.done $0x0  }
0x18: {  	s0 =	simm.s32 $0x1680;
	[sflag:s17] =	ssyncadd.s32 $0xFFFFE980  }
0x19: {  	[tilespmem:s0], [sflag:$0x2] =	stream.linear.gather [hbm4b:s14+s2], $0x1680, $0x38;
	[tilespmem:$0x195E0] =	vst v63  }
0x1a: {  	_ =	swait.ge [sflag:s17], $0x1680  }
0x1b: {  	[sflag:s17] =	ssyncset.done $0x0  }
0x1c: {  	s30 =	simm.s32 $0x2D00;
	[sflag:s17] =	ssyncadd.s32 $0xFFFFE980  }
0x1d: {  	[tilespmem:s30], [sflag:$0x2] =	stream.linear.gather [hbm4b:s15+s2], $0x1680, $0x38;
	[tilespmem:$0x195E0] =	vst v63  }
0x1e: {  	_ =	swait.ge [sflag:s17], $0x1680  }
0x1f: {  	[sflag:s17] =	ssyncset.done $0x0  }
0x20: {  	s31 =	simm.s32 $0x4380;
	[sflag:s17] =	ssyncadd.s32 $0xFFFFE980  }
0x21: {  	[tilespmem:s31], [sflag:$0x2] =	stream.linear.gather [hbm4b:s16+s2], $0x1680, $0x38;
	[tilespmem:$0x195E0] =	vst v63  }
0x22: {  	_ =	swait.ge [sflag:s17], $0x1680  }
0x23: {  	[sflag:s17] =	ssyncset.done $0x0  }
0x24: {  	s18 =	simm.s32 $0x240;
	s0 =	simm.s32 $0x0;
	[sflag:s17] =	ssyncadd.s32 $0xFFFFE980  }
.LBB2_2:
0x25: {  	p1 =	sne.s32 s18, $0xB1C0;
	[tilespmem:s0+$0xB4D0] =	vst v1  }
0x26: {  	[tilespmem:s0+$0xB450] =	vst v1  }
0x27: {  	[tilespmem:s0+$0xB460] =	vst v1  }
0x28: {  	[tilespmem:s0+$0xB470] =	vst v1  }
.Ltmp0:
0x29: {  	[tilespmem:s0+$0xB480] =	vst v1;
	(pc) =	sbr.rel @p1 .LBB2_2-.Ltmp0, $4  }
0x2a: {  	[tilespmem:s0+$0xB490] =	vst v1  }
0x2b: {  	[tilespmem:s0+$0xB4A0] =	vst v1  }
0x2c: {  	[tilespmem:s0+$0xB4B0] =	vst v1  }
0x2d: {  	[tilespmem:s0+$0xB4C0] =	vst v1;
	s0 =	sshra.s32 s18, $0x2;
	s18 =	sadd.s32 $0x240, s18  }
0x2e: {  	[tilespmem:s0+$0xB4D0] =	vst v1  }
0x2f: {  	[tilespmem:s0+$0xB450] =	vst v1  }
0x30: {  	[tilespmem:s0+$0xB460] =	vst v1  }
0x31: {  	[tilespmem:s0+$0xB470] =	vst v1  }
0x32: {  	[tilespmem:s0+$0xB480] =	vst v1  }
0x33: {  	[tilespmem:s0+$0xB490] =	vst v1  }
0x34: {  	[tilespmem:s0+$0xB4A0] =	vst v1  }
0x35: {  	[tilespmem:s0+$0xB4B0] =	vst v1  }
0x36: {  	[tilespmem:s0+$0xB4C0] =	vst v1  }
0x37: {  	[spmem:s5] =	stream.linear.scatter [tilespmem:s21], [sflag:$0x2], $0x2D00, $0x38;
	[tilespmem:$0x195E0] =	vst v63  }
0x38: {  	_ =	swait.ge [sflag:s17], $0x2D00  }
0x39: {  	[sflag:s17] =	ssyncset.done $0x0  }
0x3a: {  	s31 =	rddreg [dreg:$0x3];
	[sflag:s17] =	ssyncadd.s32 $0xFFFFD300  }
0x3b: {  	[spmem:s31] =	stream.linear.scatter [tilespmem:s21], [sflag:$0x2], $0x2D00, $0x38;
	[tilespmem:$0x195E0] =	vst v63  }
0x3c: {  	_ =	swait.ge [sflag:s17], $0x2D00  }
0x3d: {  	[sflag:s17] =	ssyncset.done $0x0  }
0x3e: {  	[sflag:s17] =	ssyncadd.s32 $0xFFFFD300  }
0x3f: {  	[spmem:s7] =	stream.linear.scatter [tilespmem:s21], [sflag:$0x2], $0x2D00, $0x38;
	[tilespmem:$0x195E0] =	vst v63  }
0x40: {  	_ =	swait.ge [sflag:s17], $0x2D00  }
0x41: {  	[sflag:s17] =	ssyncset.done $0x0  }
0x42: {  	[sflag:s17] =	ssyncadd.s32 $0xFFFFD300  }
0x43: {  	[spmem:s8] =	stream.linear.scatter [tilespmem:s21], [sflag:$0x2], $0x2D00, $0x38;
	[tilespmem:$0x195E0] =	vst v63  }
0x44: {  	_ =	swait.ge [sflag:s17], $0x2D00  }
0x45: {  	[sflag:s17] =	ssyncset.done $0x0  }
0x46: {  	s0 =	simm.s32 @!p0 $0xB450;
	[sflag:s17] =	ssyncadd.s32 $0xFFFFD300  }
0x47: {  	[spmem:s9] =	stream.linear.scatter @!p0 [tilespmem:s0], [sflag:$0x2], $0x900, $0x38;
	[tilespmem:$0x195E0] =	vst v63  }
0x48: {  	s0 =	simm.s32 @!p0 $0x2  }
0x49: {  	_ =	swait.ge @!p0 [sflag:s0], $0x900  }
0x4a: {  	[sflag:s0] =	ssyncset.done @!p0 $0x0  }
0x4b: {  	[sflag:s0] =	ssyncadd.s32 @!p0 $0xFFFFF700  }
0x4c: {  	s29 =	simm.s32 $0x0;
	[bflag:$0x0] =	sbarrier.arrive $0xFFFF  }
.LBB2_4:
0x4d: {  	s0 =	sadd.s32 $0xFFFFFFB8, s29  }
0x4e: {  	s0 =	smin.u32 s29, s0  }
0x4f: {  	p1 =	sgt.u32 s29, $0x47;
	s18 =	simm.s32 $0x1680;
	s0 =	smul.u32 $0x50, s0  }
0x50: {  	s18 =	simm.s32 @!p1 $0x0  }
0x51: {  	s0 =	sadd.s32 s18, s0  }
0x52: {  	[tilespmem:s23], [sflag:$0x1] =	stream.indirect.gather [hbm4b:s3+s22], $0x90, s0, s22, $0xb8;
	[tilespmem:$0x195E0] =	vst v63  }
0x53: {  	s18 =	sadd.s32 $0x2D00, s0  }
0x54: {  	[tilespmem:s24], [sflag:$0x1] =	stream.indirect.gather [hbm4b:s3+s22], $0x90, s18, s22, $0xb8;
	[tilespmem:$0x195E0] =	vst v63  }
0x55: {  	v2 =	vld [tilespmem:s0+$0x2D00];
	_ =	sdelay $0x4  }
0x56: {  	v2 =	vsub.s32 v2, v0  }
0x57: {  	[tilespmem:$0x5A00] =	vst v2  }
0x58: {  	v2 =	vld [tilespmem:s0+$0x2D10];
	_ =	sdelay $0x4  }
0x59: {  	v2 =	vsub.s32 v2, v0  }
0x5a: {  	[tilespmem:$0x5A10] =	vst v2  }
0x5b: {  	v2 =	vld [tilespmem:s0+$0x2D20];
	_ =	sdelay $0x4  }
0x5c: {  	v2 =	vsub.s32 v2, v0  }
0x5d: {  	[tilespmem:$0x5A20] =	vst v2  }
0x5e: {  	v2 =	vld [tilespmem:s0+$0x2D30];
	_ =	sdelay $0x4  }
0x5f: {  	v2 =	vsub.s32 v2, v0  }
0x60: {  	[tilespmem:$0x5A30] =	vst v2  }
0x61: {  	v2 =	vld [tilespmem:s0+$0x2D40];
	_ =	sdelay $0x4  }
0x62: {  	v2 =	vsub.s32 v2, v0  }
0x63: {  	[tilespmem:$0x5A40] =	vst v2  }
0x64: {  	_ =	swait.ge [sflag:s25], $0x2D00  }
0x65: {  	[sflag:s25] =	ssyncset.done $0x0  }
0x66: {  	[sflag:s25] =	ssyncadd.s32 $0xFFFFD300  }
0x67: {  	_ =	swait.ge [sflag:s25], $0x2D00  }
0x68: {  	[sflag:s25] =	ssyncset.done $0x0  }
0x69: {  	s18 =	simm.s32 $0x80;
	[sflag:s25] =	ssyncadd.s32 $0xFFFFD300  }
0x6a: {  	v34 =	vld [tilespmem:s18+$0x59D0]  }
0x6b: {  	v2 =	vld [tilespmem:s18+$0x86D0]  }
0x6c: {  	v33 =	vld [tilespmem:s18+$0x59E0]  }
0x6d: {  	v3 =	vld [tilespmem:s18+$0x86E0]  }
0x6e: {  	v32 =	vld [tilespmem:s18+$0x59F0]  }
0x6f: {  	v4 =	vld [tilespmem:s18+$0x86F0]  }
0x70: {  	v30 =	vld [tilespmem:s18+$0x5A00]  }
0x71: {  	v5 =	vld [tilespmem:s18+$0x8700]  }
0x72: {  	v22 =	vld [tilespmem:s18+$0x5A10];
	v2 =	vmul.f32 v2, v34;
	v3 =	vmul.f32 v3, v33  }
0x73: {  	v6 =	vld [tilespmem:s18+$0x8710]  }
0x74: {  	v24 =	vld [tilespmem:s18+$0x5A20];
	v2 =	vadd.f32 v3, v2;
	v3 =	vmul.f32 v4, v32  }
0x75: {  	v4 =	vld [tilespmem:s18+$0x8720]  }
0x76: {  	v25 =	vld [tilespmem:s18+$0x5A30];
	v2 =	vadd.f32 v3, v2;
	v3 =	vmul.f32 v5, v30  }
0x77: {  	v5 =	vld [tilespmem:s18+$0x8730]  }
0x78: {  	v29 =	vld [tilespmem:s18+$0x5A40];
	v2 =	vadd.f32 v3, v2;
	v3 =	vmul.f32 v6, v22  }
0x79: {  	v6 =	vld [tilespmem:s18+$0x8740]  }
0x7a: {  	v4 =	vmul.f32 v4, v24;
	v3 =	vadd.f32 v3, v2  }
0x7b: {  	v8 =	vld [tilespmem:s18+$0x8750]  }
0x7c: {  	s30 =	simm.s32 $0x110;
	v10 =	vld [tilespmem:s18+$0x5A50];
	v5 =	vmul.f32 v5, v25;
	v4 =	vadd.f32 v4, v3  }
0x7d: {  	v11 =	vld [tilespmem:s30+$0x86D0]  }
0x7e: {  	v12 =	vld [tilespmem:s30+$0x86E0];
	v4 =	vadd.f32 v5, v4;
	v5 =	vmul.f32 v6, v29  }
0x7f: {  	v2 =	vld [tilespmem:s30+$0x59D0]  }
0x80: {  	v3 =	vld [tilespmem:s30+$0x59E0];
	v4 =	vadd.f32 v5, v4  }
0x81: {  	v9 =	vld [tilespmem:s30+$0x59F0]  }
0x82: {  	v13 =	vld [tilespmem:s30+$0x86F0];
	(xrf2) =	vadd.scan.msk.f32 $0xffff, v4  }
0x83: {  	v7 =	vld [tilespmem:s30+$0x5A00]  }
0x84: {  	v14 =	vld [tilespmem:s30+$0x8700]  }
0x85: {  	v15 =	vld [tilespmem:s30+$0x8710];
	v11 =	vmul.f32 v11, v2;
	v12 =	vmul.f32 v12, v3  }
0x86: {  	v4 =	vld [tilespmem:s30+$0x5A10]  }
0x87: {  	v16 =	vld [tilespmem:s30+$0x8720];
	v11 =	vadd.f32 v12, v11;
	v12 =	vmul.f32 v13, v9  }
0x88: {  	v6 =	vld [tilespmem:s30+$0x5A20]  }
0x89: {  	v5 =	vld [tilespmem:s30+$0x5A30];
	v11 =	vadd.f32 v12, v11;
	v12 =	vmul.f32 v14, v7  }
0x8a: {  	v13 =	vld [tilespmem:s30+$0x8730]  }
0x8b: {  	v17 =	vld [tilespmem:s30+$0x5A40];
	v12 =	vadd.f32 v12, v11;
	v15 =	vmul.f32 v15, v4  }
0x8c: {  	(v2sf) =	vpush v10, $0x0;
	v14 =	vld [tilespmem:s30+$0x8740];
	v10, _, _ =	vpop (xrf2)  }
0x8d: {  	v20 =	vld [tilespmem:s30+$0x8750];
	(v2sf) =	vpush v10, $0xF;
	v10 =	vadd.f32 v15, v12;
	v12 =	vmul.f32 v16, v6  }
0x8e: {  	s31 =	simm.s32 $0x1A0;
	v18 =	vld [tilespmem:s30+$0x5A50]  }
0x8f: {  	v19 =	vld [tilespmem:s31+$0x86E0];
	v13 =	vmul.f32 v13, v5;
	v10 =	vadd.f32 v12, v10  }
0x90: {  	v11 =	vld [tilespmem:s31+$0x59D0];
	(v2sf) =	vpush v8, $0x1  }
0x91: {  	v16 =	vld [tilespmem:s31+$0x86D0];
	v10 =	vadd.f32 v13, v10;
	v13 =	vmul.f32 v14, v17  }
0x92: {  	v8 =	vld [tilespmem:s31+$0x59E0]  }
0x93: {  	v21 =	vld [tilespmem:s31+$0x86F0];
	v13 =	vadd.f32 v13, v10  }
0x94: {  	v12 =	vld [tilespmem:s31+$0x59F0]  }
0x95: {  	v23 =	vld [tilespmem:s31+$0x8700];
	(xrf2) =	vadd.scan.msk.f32 $0xffff, v13  }
0x96: {  	v15 =	vld [tilespmem:s31+$0x5A00]  }
0x97: {  	v26 =	vld [tilespmem:s31+$0x8710];
	v16 =	vmul.f32 v16, v11;
	v19 =	vmul.f32 v19, v8  }
0x98: {  	v10 =	vld [tilespmem:s31+$0x5A10]  }
0x99: {  	v27 =	vld [tilespmem:s31+$0x8720];
	v21 =	vmul.f32 v21, v12;
	v16 =	vadd.f32 v19, v16  }
0x9a: {  	v13 =	vld [tilespmem:s31+$0x5A20]  }
0x9b: {  	v28 =	vld [tilespmem:s31+$0x8730];
	v16 =	vadd.f32 v21, v16;
	v21 =	vmul.f32 v23, v15  }
0x9c: {  	s4 =	spop (v2sf);
	v14 =	vld [tilespmem:s31+$0x5A30]  }
0x9d: {  	v19 =	vld [tilespmem:s31+$0x5A40];
	v26 =	vmul.f32 v26, v10;
	v21 =	vadd.f32 v21, v16;
	s19 =	spop (v2sf)  }
0x9e: {  	v23 =	vld [tilespmem:s31+$0x8740];
	s19 =	smul.f32 s19, s4  }
0x9f: {  	s0 =	simm.s32 $0x230;
	v38 =	vld [tilespmem:s31+$0x5A50];
	(v2sf) =	vpush v18, $0x0;
	v21 =	vadd.f32 v26, v21;
	v26 =	vmul.f32 v27, v13;
	s20 =	spop (v2sf);
	v18, _, _ =	vpop (xrf2)  }
0xa0: {  	v35 =	vld [tilespmem:s0+$0x86F0];
	s19 =	smul.f32 s19, s20;
	(v2sf) =	vpush v18, $0xF  }
0xa1: {  	v16 =	vld [tilespmem:s0+$0x59D0];
	v21 =	vadd.f32 v26, v21;
	v26 =	vmul.f32 v28, v14  }
0xa2: {  	v27 =	vld [tilespmem:s0+$0x86D0];
	v31 =	vmov s19;
	(v2sf) =	vpush v20, $0x1  }
0xa3: {  	v23 =	vmul.f32 v23, v19;
	v26 =	vadd.f32 v26, v21;
	v18 =	vld [tilespmem:s0+$0x59E0];
	v28 =	vmul.f32 $1.442695020e+00, v31  }
0xa4: {  	v31 =	vld [tilespmem:s0+$0x86E0]  }
0xa5: {  	v36 =	vld [tilespmem:s0+$0x8700];
	v26 =	vadd.f32 v23, v26;
	v28 =	vbroadcast v28, $0x0  }
0xa6: {  	v20 =	vld [tilespmem:s0+$0x59F0]  }
0xa7: {  	v39 =	vld [tilespmem:s0+$0x8710];
	(xrf2) =	vadd.scan.msk.f32 $0xffff, v26;
	(erf) = vpow2.f32 v28  }
0xa8: {  	v21 =	vld [tilespmem:s0+$0x5A00]  }
0xa9: {  	v40 =	vld [tilespmem:s0+$0x8720];
	v28 =	vmul.f32 v27, v16;
	v31 =	vmul.f32 v31, v18  }
0xaa: {  	v23 =	vld [tilespmem:s0+$0x5A10]  }
0xab: {  	v41 =	vld [tilespmem:s0+$0x8730];
	v35 =	vmul.f32 v35, v20;
	v31 =	vadd.f32 v31, v28  }
0xac: {  	v26 =	vld [tilespmem:s0+$0x5A20]  }
0xad: {  	v42 =	vmul.f32 v36, v21;
	v27 =	vld [tilespmem:s0+$0x5A30];
	v31 =	vadd.f32 v35, v31  }
0xae: {  	v37 =	vld [tilespmem:s31+$0x8750];
	s6 =	spop (v2sf)  }
0xaf: {  	v43 =	vld [tilespmem:s0+$0x8740];
	v39 =	vmul.f32 v39, v23;
	v42 =	vadd.f32 v42, v31;
	s4 =	spop (v2sf)  }
0xb0: {  	(v2sf) =	vpush v38, $0x0;
	v28 =	vld [tilespmem:s0+$0x5A40];
	v36 =	vpop (erf);
	s4 =	smul.f32 s4, s6  }
0xb1: {  	v60 =	vmul.f32 v40, v26;
	v35 =	vld [tilespmem:s0+$0x8750];
	v61, _, _ =	vpop (xrf2);
	v59 =	vadd.f32 v39, v42;
	v44 =	vmul.f32 v36, v29;
	s6 =	spop (v2sf)  }
0xb2: {  	s19 =	simm.s32 $0x2C0;
	v41 =	vmul.f32 v41, v27;
	v31 =	vld [tilespmem:s0+$0x5A50];
	(v2sf) =	vpush v61, $0xF;
	v34 =	vmul.f32 v36, v34;
	s4 =	smul.f32 s4, s6  }
0xb3: {  	v29 =	vld [tilespmem:s19+$0x59D0];
	v62 =	vmul.f32 v36, v33;
	v32 =	vmul.f32 v36, v32;
	v38 =	vadd.f32 v60, v59;
	[tilespmem:s18+$0xB440] =	vst v44  }
0xb4: {  	(v2sf) =	vpush v37, $0x1;
	v39 =	vmul.f32 v36, v30;
	v33 =	vld [tilespmem:s19+$0x86D0];
	[tilespmem:s18+$0xB3D0] =	vst v34;
	v63 =	vmov s4  }
0xb5: {  	s20 =	simm.s32 $0xD40;
	v37 =	vadd.f32 v41, v38;
	v38 =	vmul.f32 v43, v28;
	v30 =	vld [tilespmem:s19+$0x59E0];
	[tilespmem:s18+$0xB3E0] =	vst v62;
	v34 =	vmul.f32 $1.442695020e+00, v63  }
.LBB2_5:
0xb6: {  	p1 =	sne.s32 s20, $0xB3C0;
	v40 =	vld [tilespmem:s19+$0x86E0];
	[tilespmem:s18+$0xB3F0] =	vst v32;
	v44 =	vmul.f32 v36, v22;
	v32 =	vmul.f32 v36, v24;
	v41 =	vnsel vm0, $0x0, v36;
	v42 =	vmovc v7  }
0xb7: {  	v7 =	vmovc v15;
	v43 =	vld [tilespmem:s19+$0x59F0];
	v46 =	vadd.f32 v38, v37;
	v45 =	vbroadcast v34, $0x0;
	[tilespmem:s18+$0xB400] =	vst v39;
	v38 =	vmul.f32 v36, v25  }
0xb8: {  	v15 =	vmovc v21;
	v22 =	vmovc v4;
	v4 =	vmov v10;
	v10 =	vmov v23;
	v24 =	vmov v6;
	v36 =	vld [tilespmem:s19+$0x86F0];
	[tilespmem:s18+$0xB410] =	vst v44  }
0xb9: {  	v6 =	vmovc v13;
	v13 =	vmov v26;
	v21 =	vld [tilespmem:s19+$0x5A00];
	(xrf2) =	vadd.scan.msk.f32 $0xffff, v46;
	(erf) = vpow2.f32 v45;
	[tilespmem:s18+$0xB420] =	vst v32  }
0xba: {  	v25 =	vmovc v5;
	v5 =	vmovc v14;
	v14 =	vmov v27;
	v34 =	vmov v28;
	v37 =	vmov v35;
	v32 =	vld [tilespmem:s19+$0x8700];
	[tilespmem:s18+$0xB430] =	vst v38  }
0xbb: {  	v26 =	vmul.f32 v33, v29;
	v33 =	vmovc v2;
	v2 =	vmov v11;
	v27 =	vmul.f32 v40, v30;
	v23 =	vld [tilespmem:s19+$0x5A10];
	[tilespmem:s18+$0xB450] =	vst v41;
	s18 =	smov.u32 s30;
	s30 =	smov.u32 s31;
	s31 =	smov.u32 s0  }
0xbc: {  	v11 =	vmovc v16;
	v16 =	vmovc v29;
	v29 =	vmov v3;
	v3 =	vmov v8;
	v8 =	vmov v18;
	s0 =	smov.u32 s19;
	v28 =	vld [tilespmem:s19+$0x8710]  }
0xbd: {  	v18 =	vmov v30;
	v27 =	vadd.f32 v27, v26;
	v35 =	vmul.f32 v36, v43;
	v26 =	vld [tilespmem:s0+$0x5A20]  }
0xbe: {  	v30 =	vld [tilespmem:s0+$0x8720]  }
0xbf: {  	v35 =	vadd.f32 v35, v27;
	v32 =	vmul.f32 v32, v21;
	v27 =	vld [tilespmem:s0+$0x5A30];
	s4 =	spop (v2sf)  }
0xc0: {  	v38 =	vld [tilespmem:s0+$0x8730]  }
0xc1: {  	v32 =	vadd.f32 v32, v35;
	v35 =	vmul.f32 v28, v23;
	v28 =	vld [tilespmem:s0+$0x5A40];
	s19 =	spop (v2sf)  }
0xc2: {  	v40 =	vld [tilespmem:s0+$0x8740];
	(v2sf) =	vpush v31, $0x0;
	s4 =	smul.f32 s19, s4;
	v36 =	vpop (erf)  }
.Ltmp1:
0xc3: {  	v32 =	vadd.f32 v35, v32;
	v30 =	vmul.f32 v30, v26;
	v35 =	vld [tilespmem:s0+$0x8750];
	v39, _, _ =	vpop (xrf2);
	s6 =	spop (v2sf);
	v41 =	vmul.f32 v36, v17;
	(pc) =	sbr.rel @p1 .LBB2_5-.Ltmp1, $4  }
0xc4: {  	s19 =	sshra.s32 s20, $0x2;
	v44 =	vmul.f32 v36, v29;
	v17 =	vmovc v19;
	v19 =	vmovc v34;
	v31 =	vld [tilespmem:s0+$0x5A50];
	(v2sf) =	vpush v39, $0xF;
	s4 =	smul.f32 s4, s6;
	v39 =	vmul.f32 v36, v33  }
0xc5: {  	v29 =	vld [tilespmem:s19+$0x59D0];
	v34 =	vadd.f32 v30, v32;
	v38 =	vmul.f32 v38, v27;
	v32 =	vmul.f32 v36, v9;
	[tilespmem:s18+$0xB440] =	vst v41  }
0xc6: {  	v9 =	vmovc v12;
	v12 =	vmovc v20;
	v33 =	vld [tilespmem:s19+$0x86D0];
	(v2sf) =	vpush v37, $0x1;
	v41 =	vmov s4;
	[tilespmem:s18+$0xB3D0] =	vst v39;
	v39 =	vmul.f32 v36, v42  }
0xc7: {  	s20 =	sadd.s32 $0x240, s20;
	v20 =	vmovc v43;
	v30 =	vld [tilespmem:s19+$0x59E0];
	v37 =	vadd.f32 v38, v34;
	v38 =	vmul.f32 v40, v28;
	v34 =	vmul.f32 $1.442695020e+00, v41;
	[tilespmem:s18+$0xB3E0] =	vst v44  }
0xc8: {  	v40 =	vld [tilespmem:s19+$0x86E0];
	[tilespmem:s18+$0xB3F0] =	vst v32;
	v22 =	vmul.f32 v36, v22  }
0xc9: {  	v24 =	vmul.f32 v36, v24;
	v32 =	vld [tilespmem:s19+$0x59F0];
	[tilespmem:s18+$0xB400] =	vst v39  }
0xca: {  	v25 =	vmul.f32 v36, v25;
	v39 =	vld [tilespmem:s19+$0x86F0];
	[tilespmem:s18+$0xB410] =	vst v22  }
0xcb: {  	v22 =	vld [tilespmem:s19+$0x5A00];
	[tilespmem:s18+$0xB420] =	vst v24  }
0xcc: {  	v55 =	vnsel vm0, $0x0, v36;
	v41 =	vld [tilespmem:s19+$0x8700];
	[tilespmem:s18+$0xB430] =	vst v25  }
0xcd: {  	v33 =	vmul.f32 v33, v29;
	v24 =	vld [tilespmem:s19+$0x5A10];
	v56 =	vmul.f32 v40, v30;
	[tilespmem:s18+$0xB450] =	vst v55  }
0xce: {  	v25 =	vld [tilespmem:s19+$0x8710]  }
0xcf: {  	v58 =	vld [tilespmem:s19+$0x8720];
	v33 =	vadd.f32 v56, v33;
	v57 =	vmul.f32 v39, v32  }
0xd0: {  	v39 =	vld [tilespmem:s19+$0x5A20]  }
0xd1: {  	v60 =	vld [tilespmem:s19+$0x8730];
	v33 =	vadd.f32 v57, v33;
	v59 =	vmul.f32 v41, v22  }
0xd2: {  	v37 =	vadd.f32 v38, v37;
	v41 =	vld [tilespmem:s19+$0x5A30]  }
0xd3: {  	v61 =	vld [tilespmem:s19+$0x5A40];
	v33 =	vadd.f32 v59, v33;
	v25 =	vmul.f32 v25, v24  }
0xd4: {  	(xrf2) =	vadd.scan.msk.f32 $0xffff, v37;
	v62 =	vld [tilespmem:s19+$0x8740]  }
0xd5: {  	v63 =	vmul.f32 v58, v39;
	v25 =	vadd.f32 v25, v33;
	_ =	sdelay $0x1  }
0xd6: {  	v38 =	vmul.f32 v60, v41;
	v25 =	vadd.f32 v63, v25;
	_ =	sdelay $0x1  }
0xd7: {  	v40 =	vmul.f32 v62, v61;
	v25 =	vadd.f32 v38, v25;
	_ =	sdelay $0x1  }
0xd8: {  	v25 =	vadd.f32 v40, v25;
	_ =	sdelay $0x1  }
0xd9: {  	(xrf2) =	vadd.scan.msk.f32 $0xffff, v25  }
0xda: {  	(v2sf) =	vpush v31, $0x0;
	v42, _, _ =	vpop (xrf2)  }
0xdb: {  	(v2sf) =	vpush v42, $0xF;
	_ =	sdelay $0x1  }
0xdc: {  	(v2sf) =	vpush v35, $0x1  }
0xdd: {  	v43 =	vld [tilespmem:s19+$0x5A50];
	_ =	sdelay $0x1  }
0xde: {  	v44 =	vbroadcast v34, $0x0;
	s4 =	spop (v2sf)  }
0xdf: {  	v45 =	vld [tilespmem:s19+$0x8750];
	s6 =	spop (v2sf)  }
0xe0: {  	(erf) = vpow2.f32 v44;
	s4 =	smul.f32 s6, s4  }
0xe1: {  	s20 =	spop (v2sf);
	(v2sf) =	vpush v43, $0x0;
	v46, _, _ =	vpop (xrf2)  }
0xe2: {  	s4 =	smul.f32 s4, s20;
	(v2sf) =	vpush v46, $0xF;
	_ =	sdelay $0x1  }
0xe3: {  	v47 =	vmov s4;
	(v2sf) =	vpush v45, $0x1  }
0xe4: {  	v25 =	vmul.f32 $1.442695020e+00, v47;
	_ =	sdelay $0x1  }
0xe5: {  	s6 =	spop (v2sf);
	v25 =	vbroadcast v25, $0x0  }
0xe6: {  	s18 =	spop (v2sf)  }
0xe7: {  	v31 =	vpop (erf);
	(erf) = vpow2.f32 v25;
	s4 =	smul.f32 s18, s6  }
0xe8: {  	v17 =	vmul.f32 v31, v17;
	s20 =	spop (v2sf)  }
0xe9: {  	v2 =	vmul.f32 v31, v2;
	s4 =	smul.f32 s4, s20  }
0xea: {  	v3 =	vmul.f32 v31, v3;
	[tilespmem:s30+$0xB440] =	vst v17  }
0xeb: {  	v9 =	vmul.f32 v31, v9;
	v7 =	vmul.f32 v31, v7;
	[tilespmem:s30+$0xB3D0] =	vst v2;
	v2 =	vmov s4  }
0xec: {  	[tilespmem:s30+$0xB3E0] =	vst v3;
	v3 =	vmul.f32 v31, v4;
	v2 =	vmul.f32 $1.442695020e+00, v2  }
0xed: {  	v48 =	vmul.f32 v31, v6;
	[tilespmem:s30+$0xB3F0] =	vst v9  }
0xee: {  	[tilespmem:s30+$0xB400] =	vst v7;
	s6 =	spop (v2sf);
	v2 =	vbroadcast v2, $0x0  }
0xef: {  	v5 =	vmul.f32 v31, v5;
	[tilespmem:s30+$0xB420] =	vst v48;
	s18 =	spop (v2sf)  }
0xf0: {  	[tilespmem:s30+$0xB410] =	vst v3;
	v3 =	vpop (erf);
	(erf) = vpow2.f32 v2;
	s4 =	smul.f32 s18, s6  }
0xf1: {  	[tilespmem:s30+$0xB430] =	vst v5;
	v49 =	vmul.f32 v3, v19;
	v2 =	vnsel vm0, $0x0, v31;
	s20 =	spop (v2sf)  }
0xf2: {  	[tilespmem:s30+$0xB450] =	vst v2;
	v2 =	vmul.f32 v3, v11;
	s4 =	smul.f32 s4, s20  }
0xf3: {  	v50 =	vmul.f32 v3, v8;
	[tilespmem:s31+$0xB440] =	vst v49  }
0xf4: {  	v51 =	vmul.f32 v3, v12;
	[tilespmem:s31+$0xB3D0] =	vst v2;
	v2 =	vmov s4  }
0xf5: {  	v52 =	vmul.f32 v3, v15;
	[tilespmem:s31+$0xB3E0] =	vst v50;
	v2 =	vmul.f32 $1.442695020e+00, v2  }
0xf6: {  	v53 =	vmul.f32 v3, v10;
	[tilespmem:s31+$0xB3F0] =	vst v51  }
0xf7: {  	v54 =	vmul.f32 v3, v13;
	[tilespmem:s31+$0xB400] =	vst v52;
	v2 =	vbroadcast v2, $0x0  }
0xf8: {  	v55 =	vmul.f32 v3, v14;
	[tilespmem:s31+$0xB410] =	vst v53  }
0xf9: {  	[tilespmem:s31+$0xB420] =	vst v54;
	v56 =	vpop (erf);
	(erf) = vpow2.f32 v2  }
0xfa: {  	[tilespmem:s31+$0xB430] =	vst v55;
	v2 =	vnsel vm0, $0x0, v3;
	v3 =	vmul.f32 v56, v28  }
0xfb: {  	v57 =	vmul.f32 v56, v18;
	[tilespmem:s31+$0xB450] =	vst v2  }
0xfc: {  	[tilespmem:s0+$0xB440] =	vst v3;
	v3 =	vmul.f32 v56, v20  }
0xfd: {  	v2 =	vmul.f32 v56, v16;
	[tilespmem:s0+$0xB3E0] =	vst v57  }
0xfe: {  	v58 =	vmul.f32 v56, v26;
	[tilespmem:s0+$0xB3F0] =	vst v3;
	v3 =	vmul.f32 v56, v23  }
0xff: {  	[tilespmem:s0+$0xB3D0] =	vst v2;
	v2 =	vmul.f32 v56, v21  }
0x100: {  	[tilespmem:s0+$0xB420] =	vst v58  }
0x101: {  	[tilespmem:s0+$0xB400] =	vst v2;
	v2 =	vmul.f32 v56, v27  }
0x102: {  	[tilespmem:s0+$0xB410] =	vst v3;
	v3 =	vpop (erf)  }
0x103: {  	v4 =	vnsel vm0, $0x0, v56;
	[tilespmem:s0+$0xB430] =	vst v2;
	v2 =	vmul.f32 v3, v61  }
0x104: {  	[tilespmem:s0+$0xB450] =	vst v4;
	v59 =	vmul.f32 v3, v29  }
0x105: {  	v60 =	vmul.f32 v3, v30;
	[tilespmem:s19+$0xB440] =	vst v2  }
0x106: {  	v61 =	vmul.f32 v3, v22;
	[tilespmem:s19+$0xB3D0] =	vst v59  }
0x107: {  	v62 =	vmul.f32 v3, v39;
	[tilespmem:s19+$0xB3E0] =	vst v60  }
0x108: {  	v2 =	vmul.f32 v3, v32;
	[tilespmem:s19+$0xB400] =	vst v61  }
0x109: {  	v63 =	vmul.f32 v3, v41;
	[tilespmem:s19+$0xB420] =	vst v62  }
0x10a: {  	[tilespmem:s19+$0xB3F0] =	vst v2;
	v2 =	vmul.f32 v3, v24  }
0x10b: {  	s29 =	sadd.s32 $0x1, s29;
	[tilespmem:s19+$0xB430] =	vst v63  }
0x10c: {  	p1 =	sne.s32 s29, $0x90;
	[tilespmem:s19+$0xB410] =	vst v2;
	v2 =	vnsel vm0, $0x0, v3  }
.Ltmp2:
0x10d: {  	[tilespmem:s19+$0xB450] =	vst v2;
	(pc) =	sbr.rel @p1 .LBB2_4-.Ltmp2, $4  }
0x10e: {  	[spmem:s1] =	stream.indirect.scatter.add.f32 [tilespmem:s21], [sflag:$0x2], $0x90, s26, s22, $0xb8;
	[tilespmem:$0x195E0] =	vst v63  }
0x10f: {  	_ =	swait.ge [sflag:s17], $0x2D00  }
0x110: {  	[sflag:s17] =	ssyncset.done $0x0  }
0x111: {  	[sflag:s17] =	ssyncadd.s32 $0xFFFFD300  }
0x112: {  	s0 =	stileid.u32  }
0x113: {  	s0 =	sshll.u32 s0, $0x6  }
0x114: {  	[bflag:$0x0] =	sbarrier.arrive $0xFFFF;
	s4 =	sshrl.u32 s5, $0x3;
	s0 =	sor.u32 $0x1C02, s0  }
0x115: {  	[hbm:s10], [sflag:s0] =	dma.local [spmem:s4], $0x1680  }
0x116: {  	_ =	swait.ge [sflag:s17], $0x1680  }
0x117: {  	s28 =	sadd.s32 $0x1, s28;
	[sflag:s17] =	ssyncset.done $0x0  }
0x118: {  	p1 =	sne.s32 s28, s12;
	s4 =	sshrl.u32 @!p0 s9, $0x3;
	[sflag:s17] =	ssyncadd.s32 $0xFFFFE980  }
0x119: {  	[hbm:s11], [sflag:s0] =	dma.local @!p0 [spmem:s4], $0x120  }
.Ltmp3:
0x11a: {  	_ = 	snop;
	(pc) =	sbr.rel @p1 .LBB2_1-.Ltmp3, $4  }
0x11b: {  	s0 =	simm.s32 @!p0 $0x2  }
0x11c: {  	_ =	swait.ge @!p0 [sflag:s0], $0x120  }
0x11d: {  	[sflag:s0] =	ssyncset.done @!p0 $0x0  }
0x11e: {  	[sflag:s0] =	ssyncadd.s32 @!p0 $0xFFFFFEE0  }
0x11f: {  	_ =	sfence.sel $0x180000  }
0x120: {  	[bflag:$0x0] =	sbarrier.arrive $0xFFFF  }
0x121: {  	_ =	strace $0x9000004A  }
0x122: {  	s0 =	stileid.u32;
	[bflag:$0x2] =	sbarrier.arrive $0xFFFF  }
0x123: {  	p0 =	sne.s32 s0, $0x0;
	s0 =	rddreg [dreg:$0x2]  }
0x124: {  	s0 =	sadd.s32 @!p0 $0x100000, s0  }
0x125: {  	[sflag:s0] =	ssyncadd.tile.s32 @!p0 $0x1;
	_ =	shalt  }
.Lfunc_end2:
_tile_overlayer_lowered:
.L_overlay_start_2:
0x126: {  	(tag) =	ssettag $0x2  }
0x127: {  	s0 =	rddreg [dreg:$0x0];
	s2 =	stileid.u32  }
0x128: {  	s1 =	rddreg [dreg:$0x1];
	p0 =	sne.s32 s2, $0x0  }
0x129: {  	s3 =	rddreg [dreg:$0x2];
	[bflag:$0x3] =	sbarrier.arrive $0xFFFF;
	s2 =	simm.s32 @!p0 $0x1C02  }
0x12a: {  	[timem:s3], [sflag:s2] =	dma.local @!p0 [hbm:s0], s1  }
0x12b: {  	s0 =	simm.s32 @!p0 $0x2  }
0x12c: {  	_ =	swait.ge @!p0 [sflag:s0], s1  }
0x12d: {  	s1 =	ssub.s32 @!p0 $0x0, s1;
	[sflag:s0] =	ssyncset.done @!p0 $0x0  }
0x12e: {  	[sflag:s0] =	ssyncadd.s32 @!p0 s1  }
0x12f: {  	[bflag:$0x3] =	sbarrier.arrive $0xFFFF  }
0x130: {  	_ =	shalt  }

</sc_bundles>
